<compile_context>
chip_gen: v7x
topology: tpu7x:2x2x1
jax: 0.10.2.dev20260603
libtpu: 0.0.44.dev20260713+nightly
codegen_flags: <defaults>
</compile_context>

<pallas_src>
import functools

import jax
import jax.numpy as jnp
from jax import lax
from jax.experimental import pallas as pl
from jax.experimental.pallas import tpu as pltpu
from jax.experimental.pallas import tpu_sc as plsc

B, L, D = 16, 4096, 1024
NW = 32
G = 8
NG = (B * L) // G
GPB = L // G
NSEG = 3
CB = 4

_mesh = plsc.VectorSubcoreMesh(core_axis_name="c", subcore_axis_name="s")


@functools.partial(
    pl.kernel,
    mesh=_mesh,
    out_type=jax.ShapeDtypeStruct((NG, G, D), jnp.float32),
    scratch_types=[
        pltpu.VMEM((NSEG * NW, 16), jnp.int32),
        pltpu.VMEM((CB, G, D), jnp.float32),
        pltpu.VMEM((CB, G, D), jnp.float32),
        pltpu.VMEM((CB, G, D), jnp.float32),
        pltpu.VMEM((G, D), jnp.float32),
        pltpu.SemaphoreType.DMA,
        pltpu.SemaphoreType.DMA,
        pltpu.SemaphoreType.DMA,
        pltpu.SemaphoreType.DMA,
        pltpu.SemaphoreType.DMA,
    ],
)
def _squeeze_sc(x_hbm, nv_hbm, z_hbm, out_hbm,
                nv_v, cb0, cb1, zbuf, bbuf, is0, is1, os0, os1, zsem):
    wid = lax.axis_index("s") * 2 + lax.axis_index("c")
    pltpu.async_copy(z_hbm, zbuf, zsem)
    pltpu.sync_copy(nv_hbm, nv_v)
    pltpu.make_async_copy(z_hbm, zbuf, zsem).wait()
    bufs = ((cb0, is0, os0), (cb1, is1, os1))

    def _segment(it, carry0):
        row = nv_v[it * NW + wid]
        nv = row[0]
        base = row[1]
        end = row[2]
        nfg = nv >> 3
        r = nv & 7

        nch = nfg >> 2
        npairs = nch >> 1

        def _ring(j, carry):
            for b in range(2):
                i = j * 2 + b
                cb, isem, osem = bufs[b]
                pos = base + i * CB

                @pl.when(j >= 1)
                def _drain_prev(cb=cb, osem=osem, pos=pos):
                    pltpu.make_async_copy(
                        cb, out_hbm.at[pl.ds(pos - 2 * CB, CB)], osem
                    ).wait()

                pltpu.async_copy(x_hbm.at[pl.ds(pos, CB)], cb, isem).wait()
                pltpu.async_copy(cb, out_hbm.at[pl.ds(pos, CB)], osem)
            return carry

        lax.fori_loop(0, npairs, _ring, 0)

        @pl.when(npairs >= 1)
        def _drain_ring():
            for b in range(2):
                cb, isem, osem = bufs[b]
                pos = base + (npairs * 2 - 2 + b) * CB
                pltpu.make_async_copy(cb, out_hbm.at[pl.ds(pos, CB)], osem).wait()

        @pl.when((nch & 1) == 1)
        def _odd_chunk():
            pos = base + (nch - 1) * CB
            pltpu.async_copy(x_hbm.at[pl.ds(pos, CB)], cb0, is0).wait()
            pltpu.async_copy(cb0, out_hbm.at[pl.ds(pos, CB)], os0).wait()

        for k in (1, 0):
            size = 1 << k
            pos = base + ((nfg >> (k + 1)) << (k + 1))

            @pl.when((nfg & size) != 0)
            def _rem_copy(pos=pos, size=size):
                pltpu.async_copy(
                    x_hbm.at[pl.ds(pos, size)], cb0.at[pl.ds(0, size)], is0
                ).wait()
                pltpu.async_copy(
                    cb0.at[pl.ds(0, size)], out_hbm.at[pl.ds(pos, size)], os0
                ).wait()

        gb = base + nfg

        @pl.when(r != 0)
        def _boundary():
            pltpu.async_copy(x_hbm.at[gb], bbuf, is0).wait()
            zv = jnp.zeros((16,), jnp.float32)
            for row8 in range(1, G):

                @pl.when(row8 >= r)
                def _zero_row(row8=row8):
                    def _st(c, carry):
                        bbuf[row8, pl.ds(c * 16, 16)] = zv
                        return carry

                    lax.fori_loop(0, D // 16, _st, 0)

            pltpu.async_copy(bbuf, out_hbm.at[gb], os0).wait()

        zstart = gb + (r != 0).astype(jnp.int32)
        mg = end - zstart
        nzc = mg >> 2

        def _zero_chunk(i, carry):
            @pl.when(i >= 4)
            def _drain(i=i):
                pltpu.make_async_copy(
                    zbuf, out_hbm.at[pl.ds(zstart + (i - 4) * CB, CB)], zsem
                ).wait()

            pltpu.async_copy(zbuf, out_hbm.at[pl.ds(zstart + i * CB, CB)], zsem)
            return carry

        lax.fori_loop(0, nzc, _zero_chunk, 0)
        for t in range(4):

            @pl.when(nzc > t)
            def _drain_tail(t=t):
                pltpu.make_async_copy(
                    zbuf, out_hbm.at[pl.ds(zstart + (nzc - 1 - t) * CB, CB)], zsem
                ).wait()

        for k in (1, 0):
            size = 1 << k
            zpos = zstart + ((mg >> (k + 1)) << (k + 1))

            @pl.when((mg & size) != 0)
            def _zero_rem(zpos=zpos, size=size):
                pltpu.async_copy(
                    zbuf.at[pl.ds(0, size)], out_hbm.at[pl.ds(zpos, size)], zsem
                ).wait()

        return carry0

    lax.fori_loop(0, NSEG, _segment, 0)


def kernel(x, x_len):
    xl = x_len.astype(jnp.int32)
    u = L + xl
    U = jnp.sum(u)
    cumu = jnp.cumsum(u)
    t = (U * jnp.arange(NW + 1, dtype=jnp.int32)) // NW
    tb = jnp.clip(jnp.searchsorted(cumu, t, side="right"), 0, B - 1)
    tin = t - (cumu[tb] - u[tb])
    vbt = xl[tb]
    rin = jnp.where(tin <= 2 * vbt, tin // 2, tin - vbt)
    gbound = tb * GPB + (rin + G // 2) // G
    glo = gbound[:-1]
    ghi = gbound[1:]
    b0 = glo // GPB
    rows = []
    for s in range(NSEG):
        bseg = b0 + s
        bidx = jnp.clip(bseg, 0, B - 1)
        lo0 = jnp.maximum(glo, bseg * GPB)
        hi0 = jnp.minimum(ghi, (bseg + 1) * GPB)
        empty = hi0 <= lo0
        lo = jnp.where(empty, glo, lo0)
        hi = jnp.where(empty, glo, hi0)
        nv = jnp.clip(xl[bidx] - (lo - bidx * GPB) * G, 0, (hi - lo) * G)
        rows.append(jnp.stack([nv, lo, hi], axis=1))
    table = jnp.concatenate(rows, axis=0)
    table = jnp.pad(table, ((0, 0), (0, 16 - table.shape[1])))
    zsrc = jnp.zeros((CB, G, D), jnp.float32)
    out = _squeeze_sc(x.reshape(NG, G, D), table, zsrc)
    return out.reshape(B, L, D)

# --- scband reference (transcript-rebuilt; emitter-appended) ---
"""Pipeline reference for scband-squeeze-embedding-1434519077178 (READ-ONLY COPY).

The authoritative reference and input builder live on the scoring server;
editing this copy changes nothing except your own understanding.
"""

import jax, jax.numpy as jnp
import numpy as np

B, L, D = 16, 4096, 1024

def setup_inputs(seed: int = 0) -> dict:
    key = jax.random.key(seed)
    k1, k2 = jax.random.split(key)
    x = jax.random.normal(k1, (B, L, D), dtype=jnp.float32)
    # lengths in [1, L]; force at least one full-length sequence so the
    # pad_packed_sequence truncation-to-longest yields a static shape [B, L, D]
    x_len = jax.random.randint(k2, (B,), 1, L + 1, dtype=jnp.int64)
    x_len = x_len.at[0].set(L)
    return {"x": x, "x_len": x_len}

def reference(x, x_len):
    # sort by length descending (mimics torch.sort(x_len, descending=True))
    sort_idx = jnp.argsort(-x_len)
    # unsort permutation (torch.sort(x_sort_idx)[1])
    unsort_idx = jnp.argsort(sort_idx)
    x_len_sorted = x_len[sort_idx]
    x_sorted = x[sort_idx]
    # pack_padded_sequence keeps only valid tokens; pad_packed_sequence
    # re-pads with zeros up to the longest sequence in the batch.
    # Since max(x_len) == L here, output length is L and padded slots are zeroed.
    Lmax = x.shape[1]
    pos = jnp.arange(Lmax)[None, :]  # [1, L]
    mask = pos < x_len_sorted[:, None]  # [B, L]
    out_sorted = jnp.where(mask[:, :, None], x_sorted, jnp.zeros((), dtype=x.dtype))
    # unsort (batch_first=True)
    out = out_sorted[unsort_idx]
    return out

if __name__ == "__main__":
    import jax
    _d = setup_inputs()
    print(jax.jit(kernel)(*tuple(_d.values())))

</pallas_src>

<mosaic_0001>
#map = affine_map<(d0, d1) -> (0, 0, 0)>
#map1 = affine_map<(d0, d1) -> (0, 0)>
module attributes {stable_mosaic.version = 14 : i64} {
  func.func @_squeeze_sc(%arg0: i32, %arg1: i32, %arg2: memref<8192x8x1024xf32, #tpu.memory_space<hbm>>, %arg3: memref<96x16xi32, #tpu.memory_space<hbm>>, %arg4: memref<4x8x1024xf32, #tpu.memory_space<hbm>>, %arg5: memref<8192x8x1024xf32, #tpu.memory_space<hbm>>, %arg6: memref<96x16xi32, #tpu.memory_space<vmem>>, %arg7: memref<4x8x1024xf32, #tpu.memory_space<vmem>>, %arg8: memref<4x8x1024xf32, #tpu.memory_space<vmem>>, %arg9: memref<4x8x1024xf32, #tpu.memory_space<vmem>>, %arg10: memref<8x1024xf32, #tpu.memory_space<vmem>>, %arg11: memref<!tpu.dma_semaphore, #tpu.memory_space<semaphore_mem>>, %arg12: memref<!tpu.dma_semaphore, #tpu.memory_space<semaphore_mem>>, %arg13: memref<!tpu.dma_semaphore, #tpu.memory_space<semaphore_mem>>, %arg14: memref<!tpu.dma_semaphore, #tpu.memory_space<semaphore_mem>>, %arg15: memref<!tpu.dma_semaphore, #tpu.memory_space<semaphore_mem>>) attributes {dimension_semantics = [#tpu.dimension_semantics<core_parallel>, #tpu.dimension_semantics<subcore_parallel>], iteration_bounds = array<i64: 2, 16>, scalar_prefetch = 0 : i64, scratch_operands = 10 : i64, tpu.core_type = #tpu.core_type<sc_vector_subcore>, window_params = [{transform_indices = #map}, {transform_indices = #map1}, {transform_indices = #map}, {transform_indices = #map}]} {
    %mul3A = arith.constant 2 : i32
    %mul3A_0 = arith.muli %arg1, %mul3A : i32
    %add3A = arith.addi %mul3A_0, %arg0 : i32
    tpu.enqueue_dma source(%arg4 : memref<4x8x1024xf32, #tpu.memory_space<hbm>>) target(%arg9 : memref<4x8x1024xf32, #tpu.memory_space<vmem>>) target_semaphore(%arg15 : memref<!tpu.dma_semaphore, #tpu.memory_space<semaphore_mem>>)
    "tpu.region"() ({
      %run_scoped3A = tpu.sem_alloc : memref<!tpu.dma_semaphore, #tpu.memory_space<semaphore_mem>>
      tpu.enqueue_dma source(%arg3 : memref<96x16xi32, #tpu.memory_space<hbm>>) target(%arg6 : memref<96x16xi32, #tpu.memory_space<vmem>>) target_semaphore(%run_scoped3A : memref<!tpu.dma_semaphore, #tpu.memory_space<semaphore_mem>>)
      tpu.wait_dma2 semaphore(%run_scoped3A : memref<!tpu.dma_semaphore, #tpu.memory_space<semaphore_mem>>) src(%arg3 : memref<96x16xi32, #tpu.memory_space<hbm>>) dst(%arg6 : memref<96x16xi32, #tpu.memory_space<vmem>>)
      tpu.yield
    }) : () -> ()
    tpu.wait_dma2 semaphore(%arg15 : memref<!tpu.dma_semaphore, #tpu.memory_space<semaphore_mem>>) src(%arg4 : memref<4x8x1024xf32, #tpu.memory_space<hbm>>) dst(%arg9 : memref<4x8x1024xf32, #tpu.memory_space<vmem>>)
    %scan3A = arith.constant 0 : i32
    %scan3A_1 = arith.constant 0 : i32
    %scan3A_2 = arith.constant 3 : i32
    %scan3A_3 = arith.addi %scan3A_1, %scan3A_2 : i32
    %scan3A_4 = arith.constant 1 : i32
    scf.for %scan3A_6 = %scan3A_1 to %scan3A_3 step %scan3A_4  : i32 {
      %mul3A_7 = arith.constant 32 : i32
      %mul3A_8 = arith.muli %scan3A_6, %mul3A_7 : i32
      %add3A_9 = arith.addi %mul3A_8, %add3A : i32
      %get3A = arith.index_cast %add3A_9 : i32 to index
      %get3A_10 = arith.constant 0 : index
      %get3A_11 = tpu.vector_load %arg6[%get3A, %get3A_10] {strides = array<i32>} : memref<96x16xi32, #tpu.memory_space<vmem>>, vector<1x16xi32>,
      %get3A_12 = vector.shape_cast %get3A_11 : vector<1x16xi32> to vector<16xi32>
      %slice3A = vector.extract_strided_slice %get3A_12 {offsets = [0], sizes = [1], strides = [1]} : vector<16xi32> to vector<1xi32>
      %squeeze3A = vector.extract %slice3A[0] : i32 from vector<1xi32>
      %slice3A_13 = vector.extract_strided_slice %get3A_12 {offsets = [1], sizes = [1], strides = [1]} : vector<16xi32> to vector<1xi32>
      %squeeze3A_14 = vector.extract %slice3A_13[0] : i32 from vector<1xi32>
      %slice3A_15 = vector.extract_strided_slice %get3A_12 {offsets = [2], sizes = [1], strides = [1]} : vector<16xi32> to vector<1xi32>
      %squeeze3A_16 = vector.extract %slice3A_15[0] : i32 from vector<1xi32>
      %shift_right_arithmetic3A = arith.constant 3 : i32
      %shift_right_arithmetic3A_17 = arith.shrsi %squeeze3A, %shift_right_arithmetic3A : i32
      %and3A = arith.constant 7 : i32
      %and3A_18 = arith.andi %squeeze3A, %and3A : i32
      %shift_right_arithmetic3A_19 = arith.constant 2 : i32
      %shift_right_arithmetic3A_20 = arith.shrsi %shift_right_arithmetic3A_17, %shift_right_arithmetic3A_19 : i32
      %shift_right_arithmetic3A_21 = arith.constant 1 : i32
      %shift_right_arithmetic3A_22 = arith.shrsi %shift_right_arithmetic3A_20, %shift_right_arithmetic3A_21 : i32
      %while3A = arith.constant 0 : i32
      %while3A_23 = arith.constant 0 : i32
      %while3A_24 = arith.subi %shift_right_arithmetic3A_22, %while3A_23 : i32
      %while3A_25 = arith.addi %while3A_23, %while3A_24 : i32
      %while3A_26 = arith.constant 1 : i32
      %while3A_27 = arith.divsi %while3A_24, %while3A_26 : i32
      %while3A_28 = arith.muli %while3A_27, %while3A_26 : i32
      %while3A_29 = arith.addi %while3A_23, %while3A_28 : i32
      %while3A_30 = arith.constant 1 : i32
      scf.for %while3A_127 = %while3A_23 to %while3A_29 step %while3A_30  : i32 {
        %mul3A_128 = arith.constant 2 : i32
        %mul3A_129 = arith.muli %while3A_127, %mul3A_128 : i32
        %add3A_130 = arith.constant 0 : i32
        %add3A_131 = arith.addi %mul3A_129, %add3A_130 : i32
        %mul3A_132 = arith.constant 4 : i32
        %mul3A_133 = arith.muli %add3A_131, %mul3A_132 : i32
        %add3A_134 = arith.addi %squeeze3A_14, %mul3A_133 : i32
        %ge3A_135 = arith.constant 1 : i32
        %ge3A_136 = arith.cmpi sge, %while3A_127, %ge3A_135 : i32
        %convert_element_type3A_137 = arith.extui %ge3A_136 : i1 to i32
        %cond3A_138 = arith.constant 0 : i32
        %cond3A_139 = arith.cmpi ne, %convert_element_type3A_137, %cond3A_138 : i32
        scf.if %cond3A_139 {
          %sub3A_186 = arith.constant 8 : i32
          %sub3A_187 = arith.subi %add3A_134, %sub3A_186 : i32
          %dma_wait3A_188 = arith.constant 0 : i32
          %dma_wait3A_189 = arith.constant 0 : i32
          %dma_wait3A_190 = tpu.memref_slice %arg5[%sub3A_187, %dma_wait3A_188, %dma_wait3A_189] : memref<8192x8x1024xf32, #tpu.memory_space<hbm>> -> memref<4x8x1024xf32, #tpu.memory_space<hbm>>
          %dma_wait3A_191 = arith.constant 0 : i32
          %dma_wait3A_192 = arith.constant 0 : i32
          %dma_wait3A_193 = tpu.memref_slice %arg5[%sub3A_187, %dma_wait3A_191, %dma_wait3A_192] : memref<8192x8x1024xf32, #tpu.memory_space<hbm>> -> memref<4x8x1024xf32, #tpu.memory_space<hbm>>
          tpu.wait_dma2 semaphore(%arg13 : memref<!tpu.dma_semaphore, #tpu.memory_space<semaphore_mem>>) src(%arg7 : memref<4x8x1024xf32, #tpu.memory_space<vmem>>) dst(%dma_wait3A_193 : memref<4x8x1024xf32, #tpu.memory_space<hbm>>)
        } else {
        }
        %dma_start3A = arith.constant 0 : i32
        %dma_start3A_140 = arith.constant 0 : i32
        %dma_start3A_141 = tpu.memref_slice %arg2[%add3A_134, %dma_start3A, %dma_start3A_140] : memref<8192x8x1024xf32, #tpu.memory_space<hbm>> -> memref<4x8x1024xf32, #tpu.memory_space<hbm>>
        %dma_start3A_142 = arith.constant 0 : i32
        %dma_start3A_143 = arith.constant 0 : i32
        %dma_start3A_144 = tpu.memref_slice %arg2[%add3A_134, %dma_start3A_142, %dma_start3A_143] : memref<8192x8x1024xf32, #tpu.memory_space<hbm>> -> memref<4x8x1024xf32, #tpu.memory_space<hbm>>
        tpu.enqueue_dma source(%dma_start3A_144 : memref<4x8x1024xf32, #tpu.memory_space<hbm>>) target(%arg7 : memref<4x8x1024xf32, #tpu.memory_space<vmem>>) target_semaphore(%arg11 : memref<!tpu.dma_semaphore, #tpu.memory_space<semaphore_mem>>)
        %dma_wait3A = arith.constant 0 : i32
        %dma_wait3A_145 = arith.constant 0 : i32
        %dma_wait3A_146 = tpu.memref_slice %arg2[%add3A_134, %dma_wait3A, %dma_wait3A_145] : memref<8192x8x1024xf32, #tpu.memory_space<hbm>> -> memref<4x8x1024xf32, #tpu.memory_space<hbm>>
        %dma_wait3A_147 = arith.constant 0 : i32
        %dma_wait3A_148 = arith.constant 0 : i32
        %dma_wait3A_149 = tpu.memref_slice %arg2[%add3A_134, %dma_wait3A_147, %dma_wait3A_148] : memref<8192x8x1024xf32, #tpu.memory_space<hbm>> -> memref<4x8x1024xf32, #tpu.memory_space<hbm>>
        tpu.wait_dma2 semaphore(%arg11 : memref<!tpu.dma_semaphore, #tpu.memory_space<semaphore_mem>>) src(%dma_wait3A_149 : memref<4x8x1024xf32, #tpu.memory_space<hbm>>) dst(%arg7 : memref<4x8x1024xf32, #tpu.memory_space<vmem>>)
        %dma_start3A_150 = arith.constant 0 : i32
        %dma_start3A_151 = arith.constant 0 : i32
        %dma_start3A_152 = tpu.memref_slice %arg5[%add3A_134, %dma_start3A_150, %dma_start3A_151] : memref<8192x8x1024xf32, #tpu.memory_space<hbm>> -> memref<4x8x1024xf32, #tpu.memory_space<hbm>>
        %dma_start3A_153 = arith.constant 0 : i32
        %dma_start3A_154 = arith.constant 0 : i32
        %dma_start3A_155 = tpu.memref_slice %arg5[%add3A_134, %dma_start3A_153, %dma_start3A_154] : memref<8192x8x1024xf32, #tpu.memory_space<hbm>> -> memref<4x8x1024xf32, #tpu.memory_space<hbm>>
        tpu.enqueue_dma source(%arg7 : memref<4x8x1024xf32, #tpu.memory_space<vmem>>) target(%dma_start3A_155 : memref<4x8x1024xf32, #tpu.memory_space<hbm>>) target_semaphore(%arg13 : memref<!tpu.dma_semaphore, #tpu.memory_space<semaphore_mem>>)
        %mul3A_156 = arith.constant 2 : i32
        %mul3A_157 = arith.muli %while3A_127, %mul3A_156 : i32
        %add3A_158 = arith.constant 1 : i32
        %add3A_159 = arith.addi %mul3A_157, %add3A_158 : i32
        %mul3A_160 = arith.constant 4 : i32
        %mul3A_161 = arith.muli %add3A_159, %mul3A_160 : i32
        %add3A_162 = arith.addi %squeeze3A_14, %mul3A_161 : i32
        %ge3A_163 = arith.constant 1 : i32
        %ge3A_164 = arith.cmpi sge, %while3A_127, %ge3A_163 : i32
        %convert_element_type3A_165 = arith.extui %ge3A_164 : i1 to i32
        %cond3A_166 = arith.constant 0 : i32
        %cond3A_167 = arith.cmpi ne, %convert_element_type3A_165, %cond3A_166 : i32
        scf.if %cond3A_167 {
          %sub3A_186 = arith.constant 8 : i32
          %sub3A_187 = arith.subi %add3A_162, %sub3A_186 : i32
          %dma_wait3A_188 = arith.constant 0 : i32
          %dma_wait3A_189 = arith.constant 0 : i32
          %dma_wait3A_190 = tpu.memref_slice %arg5[%sub3A_187, %dma_wait3A_188, %dma_wait3A_189] : memref<8192x8x1024xf32, #tpu.memory_space<hbm>> -> memref<4x8x1024xf32, #tpu.memory_space<hbm>>
          %dma_wait3A_191 = arith.constant 0 : i32
          %dma_wait3A_192 = arith.constant 0 : i32
          %dma_wait3A_193 = tpu.memref_slice %arg5[%sub3A_187, %dma_wait3A_191, %dma_wait3A_192] : memref<8192x8x1024xf32, #tpu.memory_space<hbm>> -> memref<4x8x1024xf32, #tpu.memory_space<hbm>>
          tpu.wait_dma2 semaphore(%arg14 : memref<!tpu.dma_semaphore, #tpu.memory_space<semaphore_mem>>) src(%arg8 : memref<4x8x1024xf32, #tpu.memory_space<vmem>>) dst(%dma_wait3A_193 : memref<4x8x1024xf32, #tpu.memory_space<hbm>>)
        } else {
        }
        %dma_start3A_168 = arith.constant 0 : i32
        %dma_start3A_169 = arith.constant 0 : i32
        %dma_start3A_170 = tpu.memref_slice %arg2[%add3A_162, %dma_start3A_168, %dma_start3A_169] : memref<8192x8x1024xf32, #tpu.memory_space<hbm>> -> memref<4x8x1024xf32, #tpu.memory_space<hbm>>
        %dma_start3A_171 = arith.constant 0 : i32
        %dma_start3A_172 = arith.constant 0 : i32
        %dma_start3A_173 = tpu.memref_slice %arg2[%add3A_162, %dma_start3A_171, %dma_start3A_172] : memref<8192x8x1024xf32, #tpu.memory_space<hbm>> -> memref<4x8x1024xf32, #tpu.memory_space<hbm>>
        tpu.enqueue_dma source(%dma_start3A_173 : memref<4x8x1024xf32, #tpu.memory_space<hbm>>) target(%arg8 : memref<4x8x1024xf32, #tpu.memory_space<vmem>>) target_semaphore(%arg12 : memref<!tpu.dma_semaphore, #tpu.memory_space<semaphore_mem>>)
        %dma_wait3A_174 = arith.constant 0 : i32
        %dma_wait3A_175 = arith.constant 0 : i32
        %dma_wait3A_176 = tpu.memref_slice %arg2[%add3A_162, %dma_wait3A_174, %dma_wait3A_175] : memref<8192x8x1024xf32, #tpu.memory_space<hbm>> -> memref<4x8x1024xf32, #tpu.memory_space<hbm>>
        %dma_wait3A_177 = arith.constant 0 : i32
        %dma_wait3A_178 = arith.constant 0 : i32
        %dma_wait3A_179 = tpu.memref_slice %arg2[%add3A_162, %dma_wait3A_177, %dma_wait3A_178] : memref<8192x8x1024xf32, #tpu.memory_space<hbm>> -> memref<4x8x1024xf32, #tpu.memory_space<hbm>>
        tpu.wait_dma2 semaphore(%arg12 : memref<!tpu.dma_semaphore, #tpu.memory_space<semaphore_mem>>) src(%dma_wait3A_179 : memref<4x8x1024xf32, #tpu.memory_space<hbm>>) dst(%arg8 : memref<4x8x1024xf32, #tpu.memory_space<vmem>>)
        %dma_start3A_180 = arith.constant 0 : i32
        %dma_start3A_181 = arith.constant 0 : i32
        %dma_start3A_182 = tpu.memref_slice %arg5[%add3A_162, %dma_start3A_180, %dma_start3A_181] : memref<8192x8x1024xf32, #tpu.memory_space<hbm>> -> memref<4x8x1024xf32, #tpu.memory_space<hbm>>
        %dma_start3A_183 = arith.constant 0 : i32
        %dma_start3A_184 = arith.constant 0 : i32
        %dma_start3A_185 = tpu.memref_slice %arg5[%add3A_162, %dma_start3A_183, %dma_start3A_184] : memref<8192x8x1024xf32, #tpu.memory_space<hbm>> -> memref<4x8x1024xf32, #tpu.memory_space<hbm>>
        tpu.enqueue_dma source(%arg8 : memref<4x8x1024xf32, #tpu.memory_space<vmem>>) target(%dma_start3A_185 : memref<4x8x1024xf32, #tpu.memory_space<hbm>>) target_semaphore(%arg14 : memref<!tpu.dma_semaphore, #tpu.memory_space<semaphore_mem>>)
      }
      %while3A_31 = arith.constant 1 : i32
      scf.for %while3A_127 = %while3A_29 to %while3A_25 step %while3A_31  : i32 {
        %mul3A_128 = arith.constant 2 : i32
        %mul3A_129 = arith.muli %while3A_127, %mul3A_128 : i32
        %add3A_130 = arith.constant 0 : i32
        %add3A_131 = arith.addi %mul3A_129, %add3A_130 : i32
        %mul3A_132 = arith.constant 4 : i32
        %mul3A_133 = arith.muli %add3A_131, %mul3A_132 : i32
        %add3A_134 = arith.addi %squeeze3A_14, %mul3A_133 : i32
        %ge3A_135 = arith.constant 1 : i32
        %ge3A_136 = arith.cmpi sge, %while3A_127, %ge3A_135 : i32
        %convert_element_type3A_137 = arith.extui %ge3A_136 : i1 to i32
        %cond3A_138 = arith.constant 0 : i32
        %cond3A_139 = arith.cmpi ne, %convert_element_type3A_137, %cond3A_138 : i32
        scf.if %cond3A_139 {
          %sub3A_186 = arith.constant 8 : i32
          %sub3A_187 = arith.subi %add3A_134, %sub3A_186 : i32
          %dma_wait3A_188 = arith.constant 0 : i32
          %dma_wait3A_189 = arith.constant 0 : i32
          %dma_wait3A_190 = tpu.memref_slice %arg5[%sub3A_187, %dma_wait3A_188, %dma_wait3A_189] : memref<8192x8x1024xf32, #tpu.memory_space<hbm>> -> memref<4x8x1024xf32, #tpu.memory_space<hbm>>
          %dma_wait3A_191 = arith.constant 0 : i32
          %dma_wait3A_192 = arith.constant 0 : i32
          %dma_wait3A_193 = tpu.memref_slice %arg5[%sub3A_187, %dma_wait3A_191, %dma_wait3A_192] : memref<8192x8x1024xf32, #tpu.memory_space<hbm>> -> memref<4x8x1024xf32, #tpu.memory_space<hbm>>
          tpu.wait_dma2 semaphore(%arg13 : memref<!tpu.dma_semaphore, #tpu.memory_space<semaphore_mem>>) src(%arg7 : memref<4x8x1024xf32, #tpu.memory_space<vmem>>) dst(%dma_wait3A_193 : memref<4x8x1024xf32, #tpu.memory_space<hbm>>)
        } else {
        }
        %dma_start3A = arith.constant 0 : i32
        %dma_start3A_140 = arith.constant 0 : i32
        %dma_start3A_141 = tpu.memref_slice %arg2[%add3A_134, %dma_start3A, %dma_start3A_140] : memref<8192x8x1024xf32, #tpu.memory_space<hbm>> -> memref<4x8x1024xf32, #tpu.memory_space<hbm>>
        %dma_start3A_142 = arith.constant 0 : i32
        %dma_start3A_143 = arith.constant 0 : i32
        %dma_start3A_144 = tpu.memref_slice %arg2[%add3A_134, %dma_start3A_142, %dma_start3A_143] : memref<8192x8x1024xf32, #tpu.memory_space<hbm>> -> memref<4x8x1024xf32, #tpu.memory_space<hbm>>
        tpu.enqueue_dma source(%dma_start3A_144 : memref<4x8x1024xf32, #tpu.memory_space<hbm>>) target(%arg7 : memref<4x8x1024xf32, #tpu.memory_space<vmem>>) target_semaphore(%arg11 : memref<!tpu.dma_semaphore, #tpu.memory_space<semaphore_mem>>)
        %dma_wait3A = arith.constant 0 : i32
        %dma_wait3A_145 = arith.constant 0 : i32
        %dma_wait3A_146 = tpu.memref_slice %arg2[%add3A_134, %dma_wait3A, %dma_wait3A_145] : memref<8192x8x1024xf32, #tpu.memory_space<hbm>> -> memref<4x8x1024xf32, #tpu.memory_space<hbm>>
        %dma_wait3A_147 = arith.constant 0 : i32
        %dma_wait3A_148 = arith.constant 0 : i32
        %dma_wait3A_149 = tpu.memref_slice %arg2[%add3A_134, %dma_wait3A_147, %dma_wait3A_148] : memref<8192x8x1024xf32, #tpu.memory_space<hbm>> -> memref<4x8x1024xf32, #tpu.memory_space<hbm>>
        tpu.wait_dma2 semaphore(%arg11 : memref<!tpu.dma_semaphore, #tpu.memory_space<semaphore_mem>>) src(%dma_wait3A_149 : memref<4x8x1024xf32, #tpu.memory_space<hbm>>) dst(%arg7 : memref<4x8x1024xf32, #tpu.memory_space<vmem>>)
        %dma_start3A_150 = arith.constant 0 : i32
        %dma_start3A_151 = arith.constant 0 : i32
        %dma_start3A_152 = tpu.memref_slice %arg5[%add3A_134, %dma_start3A_150, %dma_start3A_151] : memref<8192x8x1024xf32, #tpu.memory_space<hbm>> -> memref<4x8x1024xf32, #tpu.memory_space<hbm>>
        %dma_start3A_153 = arith.constant 0 : i32
        %dma_start3A_154 = arith.constant 0 : i32
        %dma_start3A_155 = tpu.memref_slice %arg5[%add3A_134, %dma_start3A_153, %dma_start3A_154] : memref<8192x8x1024xf32, #tpu.memory_space<hbm>> -> memref<4x8x1024xf32, #tpu.memory_space<hbm>>
        tpu.enqueue_dma source(%arg7 : memref<4x8x1024xf32, #tpu.memory_space<vmem>>) target(%dma_start3A_155 : memref<4x8x1024xf32, #tpu.memory_space<hbm>>) target_semaphore(%arg13 : memref<!tpu.dma_semaphore, #tpu.memory_space<semaphore_mem>>)
        %mul3A_156 = arith.constant 2 : i32
        %mul3A_157 = arith.muli %while3A_127, %mul3A_156 : i32
        %add3A_158 = arith.constant 1 : i32
        %add3A_159 = arith.addi %mul3A_157, %add3A_158 : i32
        %mul3A_160 = arith.constant 4 : i32
        %mul3A_161 = arith.muli %add3A_159, %mul3A_160 : i32
        %add3A_162 = arith.addi %squeeze3A_14, %mul3A_161 : i32
        %ge3A_163 = arith.constant 1 : i32
        %ge3A_164 = arith.cmpi sge, %while3A_127, %ge3A_163 : i32
        %convert_element_type3A_165 = arith.extui %ge3A_164 : i1 to i32
        %cond3A_166 = arith.constant 0 : i32
        %cond3A_167 = arith.cmpi ne, %convert_element_type3A_165, %cond3A_166 : i32
        scf.if %cond3A_167 {
          %sub3A_186 = arith.constant 8 : i32
          %sub3A_187 = arith.subi %add3A_162, %sub3A_186 : i32
          %dma_wait3A_188 = arith.constant 0 : i32
          %dma_wait3A_189 = arith.constant 0 : i32
          %dma_wait3A_190 = tpu.memref_slice %arg5[%sub3A_187, %dma_wait3A_188, %dma_wait3A_189] : memref<8192x8x1024xf32, #tpu.memory_space<hbm>> -> memref<4x8x1024xf32, #tpu.memory_space<hbm>>
          %dma_wait3A_191 = arith.constant 0 : i32
          %dma_wait3A_192 = arith.constant 0 : i32
          %dma_wait3A_193 = tpu.memref_slice %arg5[%sub3A_187, %dma_wait3A_191, %dma_wait3A_192] : memref<8192x8x1024xf32, #tpu.memory_space<hbm>> -> memref<4x8x1024xf32, #tpu.memory_space<hbm>>
          tpu.wait_dma2 semaphore(%arg14 : memref<!tpu.dma_semaphore, #tpu.memory_space<semaphore_mem>>) src(%arg8 : memref<4x8x1024xf32, #tpu.memory_space<vmem>>) dst(%dma_wait3A_193 : memref<4x8x1024xf32, #tpu.memory_space<hbm>>)
        } else {
        }
        %dma_start3A_168 = arith.constant 0 : i32
        %dma_start3A_169 = arith.constant 0 : i32
        %dma_start3A_170 = tpu.memref_slice %arg2[%add3A_162, %dma_start3A_168, %dma_start3A_169] : memref<8192x8x1024xf32, #tpu.memory_space<hbm>> -> memref<4x8x1024xf32, #tpu.memory_space<hbm>>
        %dma_start3A_171 = arith.constant 0 : i32
        %dma_start3A_172 = arith.constant 0 : i32
        %dma_start3A_173 = tpu.memref_slice %arg2[%add3A_162, %dma_start3A_171, %dma_start3A_172] : memref<8192x8x1024xf32, #tpu.memory_space<hbm>> -> memref<4x8x1024xf32, #tpu.memory_space<hbm>>
        tpu.enqueue_dma source(%dma_start3A_173 : memref<4x8x1024xf32, #tpu.memory_space<hbm>>) target(%arg8 : memref<4x8x1024xf32, #tpu.memory_space<vmem>>) target_semaphore(%arg12 : memref<!tpu.dma_semaphore, #tpu.memory_space<semaphore_mem>>)
        %dma_wait3A_174 = arith.constant 0 : i32
        %dma_wait3A_175 = arith.constant 0 : i32
        %dma_wait3A_176 = tpu.memref_slice %arg2[%add3A_162, %dma_wait3A_174, %dma_wait3A_175] : memref<8192x8x1024xf32, #tpu.memory_space<hbm>> -> memref<4x8x1024xf32, #tpu.memory_space<hbm>>
        %dma_wait3A_177 = arith.constant 0 : i32
        %dma_wait3A_178 = arith.constant 0 : i32
        %dma_wait3A_179 = tpu.memref_slice %arg2[%add3A_162, %dma_wait3A_177, %dma_wait3A_178] : memref<8192x8x1024xf32, #tpu.memory_space<hbm>> -> memref<4x8x1024xf32, #tpu.memory_space<hbm>>
        tpu.wait_dma2 semaphore(%arg12 : memref<!tpu.dma_semaphore, #tpu.memory_space<semaphore_mem>>) src(%dma_wait3A_179 : memref<4x8x1024xf32, #tpu.memory_space<hbm>>) dst(%arg8 : memref<4x8x1024xf32, #tpu.memory_space<vmem>>)
        %dma_start3A_180 = arith.constant 0 : i32
        %dma_start3A_181 = arith.constant 0 : i32
        %dma_start3A_182 = tpu.memref_slice %arg5[%add3A_162, %dma_start3A_180, %dma_start3A_181] : memref<8192x8x1024xf32, #tpu.memory_space<hbm>> -> memref<4x8x1024xf32, #tpu.memory_space<hbm>>
        %dma_start3A_183 = arith.constant 0 : i32
        %dma_start3A_184 = arith.constant 0 : i32
        %dma_start3A_185 = tpu.memref_slice %arg5[%add3A_162, %dma_start3A_183, %dma_start3A_184] : memref<8192x8x1024xf32, #tpu.memory_space<hbm>> -> memref<4x8x1024xf32, #tpu.memory_space<hbm>>
        tpu.enqueue_dma source(%arg8 : memref<4x8x1024xf32, #tpu.memory_space<vmem>>) target(%dma_start3A_185 : memref<4x8x1024xf32, #tpu.memory_space<hbm>>) target_semaphore(%arg14 : memref<!tpu.dma_semaphore, #tpu.memory_space<semaphore_mem>>)
      }
      %ge3A = arith.constant 1 : i32
      %ge3A_32 = arith.cmpi sge, %shift_right_arithmetic3A_22, %ge3A : i32
      %convert_element_type3A = arith.extui %ge3A_32 : i1 to i32
      %cond3A = arith.constant 0 : i32
      %cond3A_33 = arith.cmpi ne, %convert_element_type3A, %cond3A : i32
      scf.if %cond3A_33 {
        %mul3A_127 = arith.constant 2 : i32
        %mul3A_128 = arith.muli %shift_right_arithmetic3A_22, %mul3A_127 : i32
        %sub3A_129 = arith.constant 2 : i32
        %sub3A_130 = arith.subi %mul3A_128, %sub3A_129 : i32
        %add3A_131 = arith.constant 0 : i32
        %add3A_132 = arith.addi %sub3A_130, %add3A_131 : i32
        %mul3A_133 = arith.constant 4 : i32
        %mul3A_134 = arith.muli %add3A_132, %mul3A_133 : i32
        %add3A_135 = arith.addi %squeeze3A_14, %mul3A_134 : i32
        %dma_wait3A = arith.constant 0 : i32
        %dma_wait3A_136 = arith.constant 0 : i32
        %dma_wait3A_137 = tpu.memref_slice %arg5[%add3A_135, %dma_wait3A, %dma_wait3A_136] : memref<8192x8x1024xf32, #tpu.memory_space<hbm>> -> memref<4x8x1024xf32, #tpu.memory_space<hbm>>
        %dma_wait3A_138 = arith.constant 0 : i32
        %dma_wait3A_139 = arith.constant 0 : i32
        %dma_wait3A_140 = tpu.memref_slice %arg5[%add3A_135, %dma_wait3A_138, %dma_wait3A_139] : memref<8192x8x1024xf32, #tpu.memory_space<hbm>> -> memref<4x8x1024xf32, #tpu.memory_space<hbm>>
        tpu.wait_dma2 semaphore(%arg13 : memref<!tpu.dma_semaphore, #tpu.memory_space<semaphore_mem>>) src(%arg7 : memref<4x8x1024xf32, #tpu.memory_space<vmem>>) dst(%dma_wait3A_140 : memref<4x8x1024xf32, #tpu.memory_space<hbm>>)
        %mul3A_141 = arith.constant 2 : i32
        %mul3A_142 = arith.muli %shift_right_arithmetic3A_22, %mul3A_141 : i32
        %sub3A_143 = arith.constant 2 : i32
        %sub3A_144 = arith.subi %mul3A_142, %sub3A_143 : i32
        %add3A_145 = arith.constant 1 : i32
        %add3A_146 = arith.addi %sub3A_144, %add3A_145 : i32
        %mul3A_147 = arith.constant 4 : i32
        %mul3A_148 = arith.muli %add3A_146, %mul3A_147 : i32
        %add3A_149 = arith.addi %squeeze3A_14, %mul3A_148 : i32
        %dma_wait3A_150 = arith.constant 0 : i32
        %dma_wait3A_151 = arith.constant 0 : i32
        %dma_wait3A_152 = tpu.memref_slice %arg5[%add3A_149, %dma_wait3A_150, %dma_wait3A_151] : memref<8192x8x1024xf32, #tpu.memory_space<hbm>> -> memref<4x8x1024xf32, #tpu.memory_space<hbm>>
        %dma_wait3A_153 = arith.constant 0 : i32
        %dma_wait3A_154 = arith.constant 0 : i32
        %dma_wait3A_155 = tpu.memref_slice %arg5[%add3A_149, %dma_wait3A_153, %dma_wait3A_154] : memref<8192x8x1024xf32, #tpu.memory_space<hbm>> -> memref<4x8x1024xf32, #tpu.memory_space<hbm>>
        tpu.wait_dma2 semaphore(%arg14 : memref<!tpu.dma_semaphore, #tpu.memory_space<semaphore_mem>>) src(%arg8 : memref<4x8x1024xf32, #tpu.memory_space<vmem>>) dst(%dma_wait3A_155 : memref<4x8x1024xf32, #tpu.memory_space<hbm>>)
      } else {
      }
      %and3A_34 = arith.constant 1 : i32
      %and3A_35 = arith.andi %shift_right_arithmetic3A_20, %and3A_34 : i32
      %eq3A = arith.constant 1 : i32
      %eq3A_36 = arith.cmpi eq, %and3A_35, %eq3A : i32
      %convert_element_type3A_37 = arith.extui %eq3A_36 : i1 to i32
      %cond3A_38 = arith.constant 0 : i32
      %cond3A_39 = arith.cmpi ne, %convert_element_type3A_37, %cond3A_38 : i32
      scf.if %cond3A_39 {
        %sub3A_127 = arith.constant 1 : i32
        %sub3A_128 = arith.subi %shift_right_arithmetic3A_20, %sub3A_127 : i32
        %mul3A_129 = arith.constant 4 : i32
        %mul3A_130 = arith.muli %sub3A_128, %mul3A_129 : i32
        %add3A_131 = arith.addi %squeeze3A_14, %mul3A_130 : i32
        %dma_start3A = arith.constant 0 : i32
        %dma_start3A_132 = arith.constant 0 : i32
        %dma_start3A_133 = tpu.memref_slice %arg2[%add3A_131, %dma_start3A, %dma_start3A_132] : memref<8192x8x1024xf32, #tpu.memory_space<hbm>> -> memref<4x8x1024xf32, #tpu.memory_space<hbm>>
        %dma_start3A_134 = arith.constant 0 : i32
        %dma_start3A_135 = arith.constant 0 : i32
        %dma_start3A_136 = tpu.memref_slice %arg2[%add3A_131, %dma_start3A_134, %dma_start3A_135] : memref<8192x8x1024xf32, #tpu.memory_space<hbm>> -> memref<4x8x1024xf32, #tpu.memory_space<hbm>>
        tpu.enqueue_dma source(%dma_start3A_136 : memref<4x8x1024xf32, #tpu.memory_space<hbm>>) target(%arg7 : memref<4x8x1024xf32, #tpu.memory_space<vmem>>) target_semaphore(%arg11 : memref<!tpu.dma_semaphore, #tpu.memory_space<semaphore_mem>>)
        %dma_wait3A = arith.constant 0 : i32
        %dma_wait3A_137 = arith.constant 0 : i32
        %dma_wait3A_138 = tpu.memref_slice %arg2[%add3A_131, %dma_wait3A, %dma_wait3A_137] : memref<8192x8x1024xf32, #tpu.memory_space<hbm>> -> memref<4x8x1024xf32, #tpu.memory_space<hbm>>
        %dma_wait3A_139 = arith.constant 0 : i32
        %dma_wait3A_140 = arith.constant 0 : i32
        %dma_wait3A_141 = tpu.memref_slice %arg2[%add3A_131, %dma_wait3A_139, %dma_wait3A_140] : memref<8192x8x1024xf32, #tpu.memory_space<hbm>> -> memref<4x8x1024xf32, #tpu.memory_space<hbm>>
        tpu.wait_dma2 semaphore(%arg11 : memref<!tpu.dma_semaphore, #tpu.memory_space<semaphore_mem>>) src(%dma_wait3A_141 : memref<4x8x1024xf32, #tpu.memory_space<hbm>>) dst(%arg7 : memref<4x8x1024xf32, #tpu.memory_space<vmem>>)
        %dma_start3A_142 = arith.constant 0 : i32
        %dma_start3A_143 = arith.constant 0 : i32
        %dma_start3A_144 = tpu.memref_slice %arg5[%add3A_131, %dma_start3A_142, %dma_start3A_143] : memref<8192x8x1024xf32, #tpu.memory_space<hbm>> -> memref<4x8x1024xf32, #tpu.memory_space<hbm>>
        %dma_start3A_145 = arith.constant 0 : i32
        %dma_start3A_146 = arith.constant 0 : i32
        %dma_start3A_147 = tpu.memref_slice %arg5[%add3A_131, %dma_start3A_145, %dma_start3A_146] : memref<8192x8x1024xf32, #tpu.memory_space<hbm>> -> memref<4x8x1024xf32, #tpu.memory_space<hbm>>
        tpu.enqueue_dma source(%arg7 : memref<4x8x1024xf32, #tpu.memory_space<vmem>>) target(%dma_start3A_147 : memref<4x8x1024xf32, #tpu.memory_space<hbm>>) target_semaphore(%arg13 : memref<!tpu.dma_semaphore, #tpu.memory_space<semaphore_mem>>)
        %dma_wait3A_148 = arith.constant 0 : i32
        %dma_wait3A_149 = arith.constant 0 : i32
        %dma_wait3A_150 = tpu.memref_slice %arg5[%add3A_131, %dma_wait3A_148, %dma_wait3A_149] : memref<8192x8x1024xf32, #tpu.memory_space<hbm>> -> memref<4x8x1024xf32, #tpu.memory_space<hbm>>
        %dma_wait3A_151 = arith.constant 0 : i32
        %dma_wait3A_152 = arith.constant 0 : i32
        %dma_wait3A_153 = tpu.memref_slice %arg5[%add3A_131, %dma_wait3A_151, %dma_wait3A_152] : memref<8192x8x1024xf32, #tpu.memory_space<hbm>> -> memref<4x8x1024xf32, #tpu.memory_space<hbm>>
        tpu.wait_dma2 semaphore(%arg13 : memref<!tpu.dma_semaphore, #tpu.memory_space<semaphore_mem>>) src(%arg7 : memref<4x8x1024xf32, #tpu.memory_space<vmem>>) dst(%dma_wait3A_153 : memref<4x8x1024xf32, #tpu.memory_space<hbm>>)
      } else {
      }
      %shift_right_arithmetic3A_40 = arith.constant 2 : i32
      %shift_right_arithmetic3A_41 = arith.shrsi %shift_right_arithmetic3A_17, %shift_right_arithmetic3A_40 : i32
      %shift_left3A = arith.constant 2 : i32
      %shift_left3A_42 = arith.shli %shift_right_arithmetic3A_41, %shift_left3A : i32
      %add3A_43 = arith.addi %squeeze3A_14, %shift_left3A_42 : i32
      %and3A_44 = arith.constant 2 : i32
      %and3A_45 = arith.andi %shift_right_arithmetic3A_17, %and3A_44 : i32
      %ne3A = arith.constant 0 : i32
      %ne3A_46 = arith.cmpi ne, %and3A_45, %ne3A : i32
      %convert_element_type3A_47 = arith.extui %ne3A_46 : i1 to i32
      %cond3A_48 = arith.constant 0 : i32
      %cond3A_49 = arith.cmpi ne, %convert_element_type3A_47, %cond3A_48 : i32
      scf.if %cond3A_49 {
        %dma_start3A = arith.constant 0 : i32
        %dma_start3A_127 = arith.constant 0 : i32
        %dma_start3A_128 = arith.constant 0 : i32
        %dma_start3A_129 = tpu.memref_slice %arg7[%dma_start3A, %dma_start3A_127, %dma_start3A_128] : memref<4x8x1024xf32, #tpu.memory_space<vmem>> -> memref<2x8x1024xf32, #tpu.memory_space<vmem>>
        %dma_start3A_130 = arith.constant 0 : i32
        %dma_start3A_131 = arith.constant 0 : i32
        %dma_start3A_132 = tpu.memref_slice %arg2[%add3A_43, %dma_start3A_130, %dma_start3A_131] : memref<8192x8x1024xf32, #tpu.memory_space<hbm>> -> memref<2x8x1024xf32, #tpu.memory_space<hbm>>
        %dma_start3A_133 = arith.constant 0 : i32
        %dma_start3A_134 = arith.constant 0 : i32
        %dma_start3A_135 = arith.constant 0 : i32
        %dma_start3A_136 = tpu.memref_slice %arg7[%dma_start3A_133, %dma_start3A_134, %dma_start3A_135] : memref<4x8x1024xf32, #tpu.memory_space<vmem>> -> memref<2x8x1024xf32, #tpu.memory_space<vmem>>
        %dma_start3A_137 = arith.constant 0 : i32
        %dma_start3A_138 = arith.constant 0 : i32
        %dma_start3A_139 = tpu.memref_slice %arg2[%add3A_43, %dma_start3A_137, %dma_start3A_138] : memref<8192x8x1024xf32, #tpu.memory_space<hbm>> -> memref<2x8x1024xf32, #tpu.memory_space<hbm>>
        tpu.enqueue_dma source(%dma_start3A_139 : memref<2x8x1024xf32, #tpu.memory_space<hbm>>) target(%dma_start3A_136 : memref<2x8x1024xf32, #tpu.memory_space<vmem>>) target_semaphore(%arg11 : memref<!tpu.dma_semaphore, #tpu.memory_space<semaphore_mem>>)
        %dma_wait3A = arith.constant 0 : i32
        %dma_wait3A_140 = arith.constant 0 : i32
        %dma_wait3A_141 = arith.constant 0 : i32
        %dma_wait3A_142 = tpu.memref_slice %arg7[%dma_wait3A, %dma_wait3A_140, %dma_wait3A_141] : memref<4x8x1024xf32, #tpu.memory_space<vmem>> -> memref<2x8x1024xf32, #tpu.memory_space<vmem>>
        %dma_wait3A_143 = arith.constant 0 : i32
        %dma_wait3A_144 = arith.constant 0 : i32
        %dma_wait3A_145 = tpu.memref_slice %arg2[%add3A_43, %dma_wait3A_143, %dma_wait3A_144] : memref<8192x8x1024xf32, #tpu.memory_space<hbm>> -> memref<2x8x1024xf32, #tpu.memory_space<hbm>>
        %dma_wait3A_146 = arith.constant 0 : i32
        %dma_wait3A_147 = arith.constant 0 : i32
        %dma_wait3A_148 = arith.constant 0 : i32
        %dma_wait3A_149 = tpu.memref_slice %arg7[%dma_wait3A_146, %dma_wait3A_147, %dma_wait3A_148] : memref<4x8x1024xf32, #tpu.memory_space<vmem>> -> memref<2x8x1024xf32, #tpu.memory_space<vmem>>
        %dma_wait3A_150 = arith.constant 0 : i32
        %dma_wait3A_151 = arith.constant 0 : i32
        %dma_wait3A_152 = tpu.memref_slice %arg2[%add3A_43, %dma_wait3A_150, %dma_wait3A_151] : memref<8192x8x1024xf32, #tpu.memory_space<hbm>> -> memref<2x8x1024xf32, #tpu.memory_space<hbm>>
        tpu.wait_dma2 semaphore(%arg11 : memref<!tpu.dma_semaphore, #tpu.memory_space<semaphore_mem>>) src(%dma_wait3A_152 : memref<2x8x1024xf32, #tpu.memory_space<hbm>>) dst(%dma_wait3A_149 : memref<2x8x1024xf32, #tpu.memory_space<vmem>>)
        %dma_start3A_153 = arith.constant 0 : i32
        %dma_start3A_154 = arith.constant 0 : i32
        %dma_start3A_155 = arith.constant 0 : i32
        %dma_start3A_156 = tpu.memref_slice %arg7[%dma_start3A_153, %dma_start3A_154, %dma_start3A_155] : memref<4x8x1024xf32, #tpu.memory_space<vmem>> -> memref<2x8x1024xf32, #tpu.memory_space<vmem>>
        %dma_start3A_157 = arith.constant 0 : i32
        %dma_start3A_158 = arith.constant 0 : i32
        %dma_start3A_159 = tpu.memref_slice %arg5[%add3A_43, %dma_start3A_157, %dma_start3A_158] : memref<8192x8x1024xf32, #tpu.memory_space<hbm>> -> memref<2x8x1024xf32, #tpu.memory_space<hbm>>
        %dma_start3A_160 = arith.constant 0 : i32
        %dma_start3A_161 = arith.constant 0 : i32
        %dma_start3A_162 = tpu.memref_slice %arg5[%add3A_43, %dma_start3A_160, %dma_start3A_161] : memref<8192x8x1024xf32, #tpu.memory_space<hbm>> -> memref<2x8x1024xf32, #tpu.memory_space<hbm>>
        %dma_start3A_163 = arith.constant 0 : i32
        %dma_start3A_164 = arith.constant 0 : i32
        %dma_start3A_165 = arith.constant 0 : i32
        %dma_start3A_166 = tpu.memref_slice %arg7[%dma_start3A_163, %dma_start3A_164, %dma_start3A_165] : memref<4x8x1024xf32, #tpu.memory_space<vmem>> -> memref<2x8x1024xf32, #tpu.memory_space<vmem>>
        tpu.enqueue_dma source(%dma_start3A_166 : memref<2x8x1024xf32, #tpu.memory_space<vmem>>) target(%dma_start3A_162 : memref<2x8x1024xf32, #tpu.memory_space<hbm>>) target_semaphore(%arg13 : memref<!tpu.dma_semaphore, #tpu.memory_space<semaphore_mem>>)
        %dma_wait3A_167 = arith.constant 0 : i32
        %dma_wait3A_168 = arith.constant 0 : i32
        %dma_wait3A_169 = arith.constant 0 : i32
        %dma_wait3A_170 = tpu.memref_slice %arg7[%dma_wait3A_167, %dma_wait3A_168, %dma_wait3A_169] : memref<4x8x1024xf32, #tpu.memory_space<vmem>> -> memref<2x8x1024xf32, #tpu.memory_space<vmem>>
        %dma_wait3A_171 = arith.constant 0 : i32
        %dma_wait3A_172 = arith.constant 0 : i32
        %dma_wait3A_173 = tpu.memref_slice %arg5[%add3A_43, %dma_wait3A_171, %dma_wait3A_172] : memref<8192x8x1024xf32, #tpu.memory_space<hbm>> -> memref<2x8x1024xf32, #tpu.memory_space<hbm>>
        %dma_wait3A_174 = arith.constant 0 : i32
        %dma_wait3A_175 = arith.constant 0 : i32
        %dma_wait3A_176 = tpu.memref_slice %arg5[%add3A_43, %dma_wait3A_174, %dma_wait3A_175] : memref<8192x8x1024xf32, #tpu.memory_space<hbm>> -> memref<2x8x1024xf32, #tpu.memory_space<hbm>>
        %dma_wait3A_177 = arith.constant 0 : i32
        %dma_wait3A_178 = arith.constant 0 : i32
        %dma_wait3A_179 = arith.constant 0 : i32
        %dma_wait3A_180 = tpu.memref_slice %arg7[%dma_wait3A_177, %dma_wait3A_178, %dma_wait3A_179] : memref<4x8x1024xf32, #tpu.memory_space<vmem>> -> memref<2x8x1024xf32, #tpu.memory_space<vmem>>
        tpu.wait_dma2 semaphore(%arg13 : memref<!tpu.dma_semaphore, #tpu.memory_space<semaphore_mem>>) src(%dma_wait3A_180 : memref<2x8x1024xf32, #tpu.memory_space<vmem>>) dst(%dma_wait3A_176 : memref<2x8x1024xf32, #tpu.memory_space<hbm>>)
      } else {
      }
      %shift_right_arithmetic3A_50 = arith.constant 1 : i32
      %shift_right_arithmetic3A_51 = arith.shrsi %shift_right_arithmetic3A_17, %shift_right_arithmetic3A_50 : i32
      %shift_left3A_52 = arith.constant 1 : i32
      %shift_left3A_53 = arith.shli %shift_right_arithmetic3A_51, %shift_left3A_52 : i32
      %add3A_54 = arith.addi %squeeze3A_14, %shift_left3A_53 : i32
      %and3A_55 = arith.constant 1 : i32
      %and3A_56 = arith.andi %shift_right_arithmetic3A_17, %and3A_55 : i32
      %ne3A_57 = arith.constant 0 : i32
      %ne3A_58 = arith.cmpi ne, %and3A_56, %ne3A_57 : i32
      %convert_element_type3A_59 = arith.extui %ne3A_58 : i1 to i32
      %cond3A_60 = arith.constant 0 : i32
      %cond3A_61 = arith.cmpi ne, %convert_element_type3A_59, %cond3A_60 : i32
      scf.if %cond3A_61 {
        %dma_start3A = arith.constant 0 : i32
        %dma_start3A_127 = arith.constant 0 : i32
        %dma_start3A_128 = arith.constant 0 : i32
        %dma_start3A_129 = tpu.memref_slice %arg7[%dma_start3A, %dma_start3A_127, %dma_start3A_128] : memref<4x8x1024xf32, #tpu.memory_space<vmem>> -> memref<1x8x1024xf32, #tpu.memory_space<vmem>>
        %dma_start3A_130 = arith.constant 0 : i32
        %dma_start3A_131 = arith.constant 0 : i32
        %dma_start3A_132 = tpu.memref_slice %arg2[%add3A_54, %dma_start3A_130, %dma_start3A_131] : memref<8192x8x1024xf32, #tpu.memory_space<hbm>> -> memref<1x8x1024xf32, #tpu.memory_space<hbm>>
        %dma_start3A_133 = arith.constant 0 : i32
        %dma_start3A_134 = arith.constant 0 : i32
        %dma_start3A_135 = arith.constant 0 : i32
        %dma_start3A_136 = tpu.memref_slice %arg7[%dma_start3A_133, %dma_start3A_134, %dma_start3A_135] : memref<4x8x1024xf32, #tpu.memory_space<vmem>> -> memref<1x8x1024xf32, #tpu.memory_space<vmem>>
        %dma_start3A_137 = arith.constant 0 : i32
        %dma_start3A_138 = arith.constant 0 : i32
        %dma_start3A_139 = tpu.memref_slice %arg2[%add3A_54, %dma_start3A_137, %dma_start3A_138] : memref<8192x8x1024xf32, #tpu.memory_space<hbm>> -> memref<1x8x1024xf32, #tpu.memory_space<hbm>>
        tpu.enqueue_dma source(%dma_start3A_139 : memref<1x8x1024xf32, #tpu.memory_space<hbm>>) target(%dma_start3A_136 : memref<1x8x1024xf32, #tpu.memory_space<vmem>>) target_semaphore(%arg11 : memref<!tpu.dma_semaphore, #tpu.memory_space<semaphore_mem>>)
        %dma_wait3A = arith.constant 0 : i32
        %dma_wait3A_140 = arith.constant 0 : i32
        %dma_wait3A_141 = arith.constant 0 : i32
        %dma_wait3A_142 = tpu.memref_slice %arg7[%dma_wait3A, %dma_wait3A_140, %dma_wait3A_141] : memref<4x8x1024xf32, #tpu.memory_space<vmem>> -> memref<1x8x1024xf32, #tpu.memory_space<vmem>>
        %dma_wait3A_143 = arith.constant 0 : i32
        %dma_wait3A_144 = arith.constant 0 : i32
        %dma_wait3A_145 = tpu.memref_slice %arg2[%add3A_54, %dma_wait3A_143, %dma_wait3A_144] : memref<8192x8x1024xf32, #tpu.memory_space<hbm>> -> memref<1x8x1024xf32, #tpu.memory_space<hbm>>
        %dma_wait3A_146 = arith.constant 0 : i32
        %dma_wait3A_147 = arith.constant 0 : i32
        %dma_wait3A_148 = arith.constant 0 : i32
        %dma_wait3A_149 = tpu.memref_slice %arg7[%dma_wait3A_146, %dma_wait3A_147, %dma_wait3A_148] : memref<4x8x1024xf32, #tpu.memory_space<vmem>> -> memref<1x8x1024xf32, #tpu.memory_space<vmem>>
        %dma_wait3A_150 = arith.constant 0 : i32
        %dma_wait3A_151 = arith.constant 0 : i32
        %dma_wait3A_152 = tpu.memref_slice %arg2[%add3A_54, %dma_wait3A_150, %dma_wait3A_151] : memref<8192x8x1024xf32, #tpu.memory_space<hbm>> -> memref<1x8x1024xf32, #tpu.memory_space<hbm>>
        tpu.wait_dma2 semaphore(%arg11 : memref<!tpu.dma_semaphore, #tpu.memory_space<semaphore_mem>>) src(%dma_wait3A_152 : memref<1x8x1024xf32, #tpu.memory_space<hbm>>) dst(%dma_wait3A_149 : memref<1x8x1024xf32, #tpu.memory_space<vmem>>)
        %dma_start3A_153 = arith.constant 0 : i32
        %dma_start3A_154 = arith.constant 0 : i32
        %dma_start3A_155 = arith.constant 0 : i32
        %dma_start3A_156 = tpu.memref_slice %arg7[%dma_start3A_153, %dma_start3A_154, %dma_start3A_155] : memref<4x8x1024xf32, #tpu.memory_space<vmem>> -> memref<1x8x1024xf32, #tpu.memory_space<vmem>>
        %dma_start3A_157 = arith.constant 0 : i32
        %dma_start3A_158 = arith.constant 0 : i32
        %dma_start3A_159 = tpu.memref_slice %arg5[%add3A_54, %dma_start3A_157, %dma_start3A_158] : memref<8192x8x1024xf32, #tpu.memory_space<hbm>> -> memref<1x8x1024xf32, #tpu.memory_space<hbm>>
        %dma_start3A_160 = arith.constant 0 : i32
        %dma_start3A_161 = arith.constant 0 : i32
        %dma_start3A_162 = tpu.memref_slice %arg5[%add3A_54, %dma_start3A_160, %dma_start3A_161] : memref<8192x8x1024xf32, #tpu.memory_space<hbm>> -> memref<1x8x1024xf32, #tpu.memory_space<hbm>>
        %dma_start3A_163 = arith.constant 0 : i32
        %dma_start3A_164 = arith.constant 0 : i32
        %dma_start3A_165 = arith.constant 0 : i32
        %dma_start3A_166 = tpu.memref_slice %arg7[%dma_start3A_163, %dma_start3A_164, %dma_start3A_165] : memref<4x8x1024xf32, #tpu.memory_space<vmem>> -> memref<1x8x1024xf32, #tpu.memory_space<vmem>>
        tpu.enqueue_dma source(%dma_start3A_166 : memref<1x8x1024xf32, #tpu.memory_space<vmem>>) target(%dma_start3A_162 : memref<1x8x1024xf32, #tpu.memory_space<hbm>>) target_semaphore(%arg13 : memref<!tpu.dma_semaphore, #tpu.memory_space<semaphore_mem>>)
        %dma_wait3A_167 = arith.constant 0 : i32
        %dma_wait3A_168 = arith.constant 0 : i32
        %dma_wait3A_169 = arith.constant 0 : i32
        %dma_wait3A_170 = tpu.memref_slice %arg7[%dma_wait3A_167, %dma_wait3A_168, %dma_wait3A_169] : memref<4x8x1024xf32, #tpu.memory_space<vmem>> -> memref<1x8x1024xf32, #tpu.memory_space<vmem>>
        %dma_wait3A_171 = arith.constant 0 : i32
        %dma_wait3A_172 = arith.constant 0 : i32
        %dma_wait3A_173 = tpu.memref_slice %arg5[%add3A_54, %dma_wait3A_171, %dma_wait3A_172] : memref<8192x8x1024xf32, #tpu.memory_space<hbm>> -> memref<1x8x1024xf32, #tpu.memory_space<hbm>>
        %dma_wait3A_174 = arith.constant 0 : i32
        %dma_wait3A_175 = arith.constant 0 : i32
        %dma_wait3A_176 = tpu.memref_slice %arg5[%add3A_54, %dma_wait3A_174, %dma_wait3A_175] : memref<8192x8x1024xf32, #tpu.memory_space<hbm>> -> memref<1x8x1024xf32, #tpu.memory_space<hbm>>
        %dma_wait3A_177 = arith.constant 0 : i32
        %dma_wait3A_178 = arith.constant 0 : i32
        %dma_wait3A_179 = arith.constant 0 : i32
        %dma_wait3A_180 = tpu.memref_slice %arg7[%dma_wait3A_177, %dma_wait3A_178, %dma_wait3A_179] : memref<4x8x1024xf32, #tpu.memory_space<vmem>> -> memref<1x8x1024xf32, #tpu.memory_space<vmem>>
        tpu.wait_dma2 semaphore(%arg13 : memref<!tpu.dma_semaphore, #tpu.memory_space<semaphore_mem>>) src(%dma_wait3A_180 : memref<1x8x1024xf32, #tpu.memory_space<vmem>>) dst(%dma_wait3A_176 : memref<1x8x1024xf32, #tpu.memory_space<hbm>>)
      } else {
      }
      %add3A_62 = arith.addi %squeeze3A_14, %shift_right_arithmetic3A_17 : i32
      %ne3A_63 = arith.constant 0 : i32
      %ne3A_64 = arith.cmpi ne, %and3A_18, %ne3A_63 : i32
      %convert_element_type3A_65 = arith.extui %ne3A_64 : i1 to i32
      %cond3A_66 = arith.constant 0 : i32
      %cond3A_67 = arith.cmpi ne, %convert_element_type3A_65, %cond3A_66 : i32
      scf.if %cond3A_67 {
        %dma_start3A = arith.constant 0 : i32
        %dma_start3A_127 = arith.constant 0 : i32
        %dma_start3A_128 = tpu.memref_slice %arg2[%add3A_62, %dma_start3A, %dma_start3A_127] : memref<8192x8x1024xf32, #tpu.memory_space<hbm>> -> memref<1x8x1024xf32, #tpu.memory_space<hbm>>
        %dma_start3A_129 = tpu.memref_squeeze %dma_start3A_128 : memref<1x8x1024xf32, #tpu.memory_space<hbm>> -> memref<8x1024xf32, #tpu.memory_space<hbm>>
        %dma_start3A_130 = arith.constant 0 : i32
        %dma_start3A_131 = arith.constant 0 : i32
        %dma_start3A_132 = tpu.memref_slice %arg2[%add3A_62, %dma_start3A_130, %dma_start3A_131] : memref<8192x8x1024xf32, #tpu.memory_space<hbm>> -> memref<1x8x1024xf32, #tpu.memory_space<hbm>>
        %dma_start3A_133 = tpu.memref_squeeze %dma_start3A_132 : memref<1x8x1024xf32, #tpu.memory_space<hbm>> -> memref<8x1024xf32, #tpu.memory_space<hbm>>
        tpu.enqueue_dma source(%dma_start3A_133 : memref<8x1024xf32, #tpu.memory_space<hbm>>) target(%arg10 : memref<8x1024xf32, #tpu.memory_space<vmem>>) target_semaphore(%arg11 : memref<!tpu.dma_semaphore, #tpu.memory_space<semaphore_mem>>)
        %dma_wait3A = arith.constant 0 : i32
        %dma_wait3A_134 = arith.constant 0 : i32
        %dma_wait3A_135 = tpu.memref_slice %arg2[%add3A_62, %dma_wait3A, %dma_wait3A_134] : memref<8192x8x1024xf32, #tpu.memory_space<hbm>> -> memref<1x8x1024xf32, #tpu.memory_space<hbm>>
        %dma_wait3A_136 = tpu.memref_squeeze %dma_wait3A_135 : memref<1x8x1024xf32, #tpu.memory_space<hbm>> -> memref<8x1024xf32, #tpu.memory_space<hbm>>
        %dma_wait3A_137 = arith.constant 0 : i32
        %dma_wait3A_138 = arith.constant 0 : i32
        %dma_wait3A_139 = tpu.memref_slice %arg2[%add3A_62, %dma_wait3A_137, %dma_wait3A_138] : memref<8192x8x1024xf32, #tpu.memory_space<hbm>> -> memref<1x8x1024xf32, #tpu.memory_space<hbm>>
        %dma_wait3A_140 = tpu.memref_squeeze %dma_wait3A_139 : memref<1x8x1024xf32, #tpu.memory_space<hbm>> -> memref<8x1024xf32, #tpu.memory_space<hbm>>
        tpu.wait_dma2 semaphore(%arg11 : memref<!tpu.dma_semaphore, #tpu.memory_space<semaphore_mem>>) src(%dma_wait3A_140 : memref<8x1024xf32, #tpu.memory_space<hbm>>) dst(%arg10 : memref<8x1024xf32, #tpu.memory_space<vmem>>)
        %broadcast_in_dim3A = arith.constant 0.000000e+00 : f32
        %broadcast_in_dim3A_141 = vector.broadcast %broadcast_in_dim3A : f32 to vector<16xf32>
        %le3A = arith.constant 1 : i32
        %le3A_142 = arith.cmpi sle, %and3A_18, %le3A : i32
        %convert_element_type3A_143 = arith.extui %le3A_142 : i1 to i32
        %cond3A_144 = arith.constant 0 : i32
        %cond3A_145 = arith.cmpi ne, %convert_element_type3A_143, %cond3A_144 : i32
        scf.if %cond3A_145 {
          %scan3A_192 = arith.constant 0 : i32
          %scan3A_193 = arith.constant 0 : i32
          %scan3A_194 = arith.constant 64 : i32
          %scan3A_195 = arith.addi %scan3A_193, %scan3A_194 : i32
          %scan3A_196 = arith.constant 1 : i32
          scf.for %scan3A_198 = %scan3A_193 to %scan3A_195 step %scan3A_196  : i32 {
            %mul3A_199 = arith.constant 16 : i32
            %mul3A_200 = arith.muli %scan3A_198, %mul3A_199 : i32
            %swap3A = arith.constant 1 : i32
            %swap3A_201 = arith.index_cast %swap3A : i32 to index
            %swap3A_202 = arith.index_cast %mul3A_200 : i32 to index
            %swap3A_203 = tpu.vector_load %arg10[%swap3A_201, %swap3A_202] {strides = array<i32>} : memref<8x1024xf32, #tpu.memory_space<vmem>>, vector<1x16xf32>,
            %swap3A_204 = vector.shape_cast %swap3A_203 : vector<1x16xf32> to vector<16xf32>
            %swap3A_205 = vector.shape_cast %broadcast_in_dim3A_141 : vector<16xf32> to vector<1x16xf32>
            tpu.vector_store %arg10[%swap3A_201, %swap3A_202], %swap3A_205 {strides = array<i32>} : memref<8x1024xf32, #tpu.memory_space<vmem>>, vector<1x16xf32>,
          }
          %scan3A_197 = arith.constant 64 : i32
        } else {
        }
        %le3A_146 = arith.constant 2 : i32
        %le3A_147 = arith.cmpi sle, %and3A_18, %le3A_146 : i32
        %convert_element_type3A_148 = arith.extui %le3A_147 : i1 to i32
        %cond3A_149 = arith.constant 0 : i32
        %cond3A_150 = arith.cmpi ne, %convert_element_type3A_148, %cond3A_149 : i32
        scf.if %cond3A_150 {
          %scan3A_192 = arith.constant 0 : i32
          %scan3A_193 = arith.constant 0 : i32
          %scan3A_194 = arith.constant 64 : i32
          %scan3A_195 = arith.addi %scan3A_193, %scan3A_194 : i32
          %scan3A_196 = arith.constant 1 : i32
          scf.for %scan3A_198 = %scan3A_193 to %scan3A_195 step %scan3A_196  : i32 {
            %mul3A_199 = arith.constant 16 : i32
            %mul3A_200 = arith.muli %scan3A_198, %mul3A_199 : i32
            %swap3A = arith.constant 2 : i32
            %swap3A_201 = arith.index_cast %swap3A : i32 to index
            %swap3A_202 = arith.index_cast %mul3A_200 : i32 to index
            %swap3A_203 = tpu.vector_load %arg10[%swap3A_201, %swap3A_202] {strides = array<i32>} : memref<8x1024xf32, #tpu.memory_space<vmem>>, vector<1x16xf32>,
            %swap3A_204 = vector.shape_cast %swap3A_203 : vector<1x16xf32> to vector<16xf32>
            %swap3A_205 = vector.shape_cast %broadcast_in_dim3A_141 : vector<16xf32> to vector<1x16xf32>
            tpu.vector_store %arg10[%swap3A_201, %swap3A_202], %swap3A_205 {strides = array<i32>} : memref<8x1024xf32, #tpu.memory_space<vmem>>, vector<1x16xf32>,
          }
          %scan3A_197 = arith.constant 64 : i32
        } else {
        }
        %le3A_151 = arith.constant 3 : i32
        %le3A_152 = arith.cmpi sle, %and3A_18, %le3A_151 : i32
        %convert_element_type3A_153 = arith.extui %le3A_152 : i1 to i32
        %cond3A_154 = arith.constant 0 : i32
        %cond3A_155 = arith.cmpi ne, %convert_element_type3A_153, %cond3A_154 : i32
        scf.if %cond3A_155 {
          %scan3A_192 = arith.constant 0 : i32
          %scan3A_193 = arith.constant 0 : i32
          %scan3A_194 = arith.constant 64 : i32
          %scan3A_195 = arith.addi %scan3A_193, %scan3A_194 : i32
          %scan3A_196 = arith.constant 1 : i32
          scf.for %scan3A_198 = %scan3A_193 to %scan3A_195 step %scan3A_196  : i32 {
            %mul3A_199 = arith.constant 16 : i32
            %mul3A_200 = arith.muli %scan3A_198, %mul3A_199 : i32
            %swap3A = arith.constant 3 : i32
            %swap3A_201 = arith.index_cast %swap3A : i32 to index
            %swap3A_202 = arith.index_cast %mul3A_200 : i32 to index
            %swap3A_203 = tpu.vector_load %arg10[%swap3A_201, %swap3A_202] {strides = array<i32>} : memref<8x1024xf32, #tpu.memory_space<vmem>>, vector<1x16xf32>,
            %swap3A_204 = vector.shape_cast %swap3A_203 : vector<1x16xf32> to vector<16xf32>
            %swap3A_205 = vector.shape_cast %broadcast_in_dim3A_141 : vector<16xf32> to vector<1x16xf32>
            tpu.vector_store %arg10[%swap3A_201, %swap3A_202], %swap3A_205 {strides = array<i32>} : memref<8x1024xf32, #tpu.memory_space<vmem>>, vector<1x16xf32>,
          }
          %scan3A_197 = arith.constant 64 : i32
        } else {
        }
        %le3A_156 = arith.constant 4 : i32
        %le3A_157 = arith.cmpi sle, %and3A_18, %le3A_156 : i32
        %convert_element_type3A_158 = arith.extui %le3A_157 : i1 to i32
        %cond3A_159 = arith.constant 0 : i32
        %cond3A_160 = arith.cmpi ne, %convert_element_type3A_158, %cond3A_159 : i32
        scf.if %cond3A_160 {
          %scan3A_192 = arith.constant 0 : i32
          %scan3A_193 = arith.constant 0 : i32
          %scan3A_194 = arith.constant 64 : i32
          %scan3A_195 = arith.addi %scan3A_193, %scan3A_194 : i32
          %scan3A_196 = arith.constant 1 : i32
          scf.for %scan3A_198 = %scan3A_193 to %scan3A_195 step %scan3A_196  : i32 {
            %mul3A_199 = arith.constant 16 : i32
            %mul3A_200 = arith.muli %scan3A_198, %mul3A_199 : i32
            %swap3A = arith.constant 4 : i32
            %swap3A_201 = arith.index_cast %swap3A : i32 to index
            %swap3A_202 = arith.index_cast %mul3A_200 : i32 to index
            %swap3A_203 = tpu.vector_load %arg10[%swap3A_201, %swap3A_202] {strides = array<i32>} : memref<8x1024xf32, #tpu.memory_space<vmem>>, vector<1x16xf32>,
            %swap3A_204 = vector.shape_cast %swap3A_203 : vector<1x16xf32> to vector<16xf32>
            %swap3A_205 = vector.shape_cast %broadcast_in_dim3A_141 : vector<16xf32> to vector<1x16xf32>
            tpu.vector_store %arg10[%swap3A_201, %swap3A_202], %swap3A_205 {strides = array<i32>} : memref<8x1024xf32, #tpu.memory_space<vmem>>, vector<1x16xf32>,
          }
          %scan3A_197 = arith.constant 64 : i32
        } else {
        }
        %le3A_161 = arith.constant 5 : i32
        %le3A_162 = arith.cmpi sle, %and3A_18, %le3A_161 : i32
        %convert_element_type3A_163 = arith.extui %le3A_162 : i1 to i32
        %cond3A_164 = arith.constant 0 : i32
        %cond3A_165 = arith.cmpi ne, %convert_element_type3A_163, %cond3A_164 : i32
        scf.if %cond3A_165 {
          %scan3A_192 = arith.constant 0 : i32
          %scan3A_193 = arith.constant 0 : i32
          %scan3A_194 = arith.constant 64 : i32
          %scan3A_195 = arith.addi %scan3A_193, %scan3A_194 : i32
          %scan3A_196 = arith.constant 1 : i32
          scf.for %scan3A_198 = %scan3A_193 to %scan3A_195 step %scan3A_196  : i32 {
            %mul3A_199 = arith.constant 16 : i32
            %mul3A_200 = arith.muli %scan3A_198, %mul3A_199 : i32
            %swap3A = arith.constant 5 : i32
            %swap3A_201 = arith.index_cast %swap3A : i32 to index
            %swap3A_202 = arith.index_cast %mul3A_200 : i32 to index
            %swap3A_203 = tpu.vector_load %arg10[%swap3A_201, %swap3A_202] {strides = array<i32>} : memref<8x1024xf32, #tpu.memory_space<vmem>>, vector<1x16xf32>,
            %swap3A_204 = vector.shape_cast %swap3A_203 : vector<1x16xf32> to vector<16xf32>
            %swap3A_205 = vector.shape_cast %broadcast_in_dim3A_141 : vector<16xf32> to vector<1x16xf32>
            tpu.vector_store %arg10[%swap3A_201, %swap3A_202], %swap3A_205 {strides = array<i32>} : memref<8x1024xf32, #tpu.memory_space<vmem>>, vector<1x16xf32>,
          }
          %scan3A_197 = arith.constant 64 : i32
        } else {
        }
        %le3A_166 = arith.constant 6 : i32
        %le3A_167 = arith.cmpi sle, %and3A_18, %le3A_166 : i32
        %convert_element_type3A_168 = arith.extui %le3A_167 : i1 to i32
        %cond3A_169 = arith.constant 0 : i32
        %cond3A_170 = arith.cmpi ne, %convert_element_type3A_168, %cond3A_169 : i32
        scf.if %cond3A_170 {
          %scan3A_192 = arith.constant 0 : i32
          %scan3A_193 = arith.constant 0 : i32
          %scan3A_194 = arith.constant 64 : i32
          %scan3A_195 = arith.addi %scan3A_193, %scan3A_194 : i32
          %scan3A_196 = arith.constant 1 : i32
          scf.for %scan3A_198 = %scan3A_193 to %scan3A_195 step %scan3A_196  : i32 {
            %mul3A_199 = arith.constant 16 : i32
            %mul3A_200 = arith.muli %scan3A_198, %mul3A_199 : i32
            %swap3A = arith.constant 6 : i32
            %swap3A_201 = arith.index_cast %swap3A : i32 to index
            %swap3A_202 = arith.index_cast %mul3A_200 : i32 to index
            %swap3A_203 = tpu.vector_load %arg10[%swap3A_201, %swap3A_202] {strides = array<i32>} : memref<8x1024xf32, #tpu.memory_space<vmem>>, vector<1x16xf32>,
            %swap3A_204 = vector.shape_cast %swap3A_203 : vector<1x16xf32> to vector<16xf32>
            %swap3A_205 = vector.shape_cast %broadcast_in_dim3A_141 : vector<16xf32> to vector<1x16xf32>
            tpu.vector_store %arg10[%swap3A_201, %swap3A_202], %swap3A_205 {strides = array<i32>} : memref<8x1024xf32, #tpu.memory_space<vmem>>, vector<1x16xf32>,
          }
          %scan3A_197 = arith.constant 64 : i32
        } else {
        }
        %le3A_171 = arith.constant 7 : i32
        %le3A_172 = arith.cmpi sle, %and3A_18, %le3A_171 : i32
        %convert_element_type3A_173 = arith.extui %le3A_172 : i1 to i32
        %cond3A_174 = arith.constant 0 : i32
        %cond3A_175 = arith.cmpi ne, %convert_element_type3A_173, %cond3A_174 : i32
        scf.if %cond3A_175 {
          %scan3A_192 = arith.constant 0 : i32
          %scan3A_193 = arith.constant 0 : i32
          %scan3A_194 = arith.constant 64 : i32
          %scan3A_195 = arith.addi %scan3A_193, %scan3A_194 : i32
          %scan3A_196 = arith.constant 1 : i32
          scf.for %scan3A_198 = %scan3A_193 to %scan3A_195 step %scan3A_196  : i32 {
            %mul3A_199 = arith.constant 16 : i32
            %mul3A_200 = arith.muli %scan3A_198, %mul3A_199 : i32
            %swap3A = arith.constant 7 : i32
            %swap3A_201 = arith.index_cast %swap3A : i32 to index
            %swap3A_202 = arith.index_cast %mul3A_200 : i32 to index
            %swap3A_203 = tpu.vector_load %arg10[%swap3A_201, %swap3A_202] {strides = array<i32>} : memref<8x1024xf32, #tpu.memory_space<vmem>>, vector<1x16xf32>,
            %swap3A_204 = vector.shape_cast %swap3A_203 : vector<1x16xf32> to vector<16xf32>
            %swap3A_205 = vector.shape_cast %broadcast_in_dim3A_141 : vector<16xf32> to vector<1x16xf32>
            tpu.vector_store %arg10[%swap3A_201, %swap3A_202], %swap3A_205 {strides = array<i32>} : memref<8x1024xf32, #tpu.memory_space<vmem>>, vector<1x16xf32>,
          }
          %scan3A_197 = arith.constant 64 : i32
        } else {
        }
        %dma_start3A_176 = arith.constant 0 : i32
        %dma_start3A_177 = arith.constant 0 : i32
        %dma_start3A_178 = tpu.memref_slice %arg5[%add3A_62, %dma_start3A_176, %dma_start3A_177] : memref<8192x8x1024xf32, #tpu.memory_space<hbm>> -> memref<1x8x1024xf32, #tpu.memory_space<hbm>>
        %dma_start3A_179 = tpu.memref_squeeze %dma_start3A_178 : memref<1x8x1024xf32, #tpu.memory_space<hbm>> -> memref<8x1024xf32, #tpu.memory_space<hbm>>
        %dma_start3A_180 = arith.constant 0 : i32
        %dma_start3A_181 = arith.constant 0 : i32
        %dma_start3A_182 = tpu.memref_slice %arg5[%add3A_62, %dma_start3A_180, %dma_start3A_181] : memref<8192x8x1024xf32, #tpu.memory_space<hbm>> -> memref<1x8x1024xf32, #tpu.memory_space<hbm>>
        %dma_start3A_183 = tpu.memref_squeeze %dma_start3A_182 : memref<1x8x1024xf32, #tpu.memory_space<hbm>> -> memref<8x1024xf32, #tpu.memory_space<hbm>>
        tpu.enqueue_dma source(%arg10 : memref<8x1024xf32, #tpu.memory_space<vmem>>) target(%dma_start3A_183 : memref<8x1024xf32, #tpu.memory_space<hbm>>) target_semaphore(%arg13 : memref<!tpu.dma_semaphore, #tpu.memory_space<semaphore_mem>>)
        %dma_wait3A_184 = arith.constant 0 : i32
        %dma_wait3A_185 = arith.constant 0 : i32
        %dma_wait3A_186 = tpu.memref_slice %arg5[%add3A_62, %dma_wait3A_184, %dma_wait3A_185] : memref<8192x8x1024xf32, #tpu.memory_space<hbm>> -> memref<1x8x1024xf32, #tpu.memory_space<hbm>>
        %dma_wait3A_187 = tpu.memref_squeeze %dma_wait3A_186 : memref<1x8x1024xf32, #tpu.memory_space<hbm>> -> memref<8x1024xf32, #tpu.memory_space<hbm>>
        %dma_wait3A_188 = arith.constant 0 : i32
        %dma_wait3A_189 = arith.constant 0 : i32
        %dma_wait3A_190 = tpu.memref_slice %arg5[%add3A_62, %dma_wait3A_188, %dma_wait3A_189] : memref<8192x8x1024xf32, #tpu.memory_space<hbm>> -> memref<1x8x1024xf32, #tpu.memory_space<hbm>>
        %dma_wait3A_191 = tpu.memref_squeeze %dma_wait3A_190 : memref<1x8x1024xf32, #tpu.memory_space<hbm>> -> memref<8x1024xf32, #tpu.memory_space<hbm>>
        tpu.wait_dma2 semaphore(%arg13 : memref<!tpu.dma_semaphore, #tpu.memory_space<semaphore_mem>>) src(%arg10 : memref<8x1024xf32, #tpu.memory_space<vmem>>) dst(%dma_wait3A_191 : memref<8x1024xf32, #tpu.memory_space<hbm>>)
      } else {
      }
      %ne3A_68 = arith.constant 0 : i32
      %ne3A_69 = arith.cmpi ne, %and3A_18, %ne3A_68 : i32
      %convert_element_type3A_70 = arith.extui %ne3A_69 : i1 to i32
      %add3A_71 = arith.addi %add3A_62, %convert_element_type3A_70 : i32
      %sub3A = arith.subi %squeeze3A_16, %add3A_71 : i32
      %shift_right_arithmetic3A_72 = arith.constant 2 : i32
      %shift_right_arithmetic3A_73 = arith.shrsi %sub3A, %shift_right_arithmetic3A_72 : i32
      %while3A_74 = arith.constant 0 : i32
      %while3A_75 = arith.constant 0 : i32
      %while3A_76 = arith.subi %shift_right_arithmetic3A_73, %while3A_75 : i32
      %while3A_77 = arith.addi %while3A_75, %while3A_76 : i32
      %while3A_78 = arith.constant 1 : i32
      %while3A_79 = arith.divsi %while3A_76, %while3A_78 : i32
      %while3A_80 = arith.muli %while3A_79, %while3A_78 : i32
      %while3A_81 = arith.addi %while3A_75, %while3A_80 : i32
      %while3A_82 = arith.constant 1 : i32
      scf.for %while3A_127 = %while3A_75 to %while3A_81 step %while3A_82  : i32 {
        %ge3A_128 = arith.constant 4 : i32
        %ge3A_129 = arith.cmpi sge, %while3A_127, %ge3A_128 : i32
        %convert_element_type3A_130 = arith.extui %ge3A_129 : i1 to i32
        %cond3A_131 = arith.constant 0 : i32
        %cond3A_132 = arith.cmpi ne, %convert_element_type3A_130, %cond3A_131 : i32
        scf.if %cond3A_132 {
          %sub3A_141 = arith.constant 4 : i32
          %sub3A_142 = arith.subi %while3A_127, %sub3A_141 : i32
          %mul3A_143 = arith.constant 4 : i32
          %mul3A_144 = arith.muli %sub3A_142, %mul3A_143 : i32
          %add3A_145 = arith.addi %add3A_71, %mul3A_144 : i32
          %dma_wait3A = arith.constant 0 : i32
          %dma_wait3A_146 = arith.constant 0 : i32
          %dma_wait3A_147 = tpu.memref_slice %arg5[%add3A_145, %dma_wait3A, %dma_wait3A_146] : memref<8192x8x1024xf32, #tpu.memory_space<hbm>> -> memref<4x8x1024xf32, #tpu.memory_space<hbm>>
          %dma_wait3A_148 = arith.constant 0 : i32
          %dma_wait3A_149 = arith.constant 0 : i32
          %dma_wait3A_150 = tpu.memref_slice %arg5[%add3A_145, %dma_wait3A_148, %dma_wait3A_149] : memref<8192x8x1024xf32, #tpu.memory_space<hbm>> -> memref<4x8x1024xf32, #tpu.memory_space<hbm>>
          tpu.wait_dma2 semaphore(%arg15 : memref<!tpu.dma_semaphore, #tpu.memory_space<semaphore_mem>>) src(%arg9 : memref<4x8x1024xf32, #tpu.memory_space<vmem>>) dst(%dma_wait3A_150 : memref<4x8x1024xf32, #tpu.memory_space<hbm>>)
        } else {
        }
        %mul3A_133 = arith.constant 4 : i32
        %mul3A_134 = arith.muli %while3A_127, %mul3A_133 : i32
        %add3A_135 = arith.addi %add3A_71, %mul3A_134 : i32
        %dma_start3A = arith.constant 0 : i32
        %dma_start3A_136 = arith.constant 0 : i32
        %dma_start3A_137 = tpu.memref_slice %arg5[%add3A_135, %dma_start3A, %dma_start3A_136] : memref<8192x8x1024xf32, #tpu.memory_space<hbm>> -> memref<4x8x1024xf32, #tpu.memory_space<hbm>>
        %dma_start3A_138 = arith.constant 0 : i32
        %dma_start3A_139 = arith.constant 0 : i32
        %dma_start3A_140 = tpu.memref_slice %arg5[%add3A_135, %dma_start3A_138, %dma_start3A_139] : memref<8192x8x1024xf32, #tpu.memory_space<hbm>> -> memref<4x8x1024xf32, #tpu.memory_space<hbm>>
        tpu.enqueue_dma source(%arg9 : memref<4x8x1024xf32, #tpu.memory_space<vmem>>) target(%dma_start3A_140 : memref<4x8x1024xf32, #tpu.memory_space<hbm>>) target_semaphore(%arg15 : memref<!tpu.dma_semaphore, #tpu.memory_space<semaphore_mem>>)
      }
      %while3A_83 = arith.constant 1 : i32
      scf.for %while3A_127 = %while3A_81 to %while3A_77 step %while3A_83  : i32 {
        %ge3A_128 = arith.constant 4 : i32
        %ge3A_129 = arith.cmpi sge, %while3A_127, %ge3A_128 : i32
        %convert_element_type3A_130 = arith.extui %ge3A_129 : i1 to i32
        %cond3A_131 = arith.constant 0 : i32
        %cond3A_132 = arith.cmpi ne, %convert_element_type3A_130, %cond3A_131 : i32
        scf.if %cond3A_132 {
          %sub3A_141 = arith.constant 4 : i32
          %sub3A_142 = arith.subi %while3A_127, %sub3A_141 : i32
          %mul3A_143 = arith.constant 4 : i32
          %mul3A_144 = arith.muli %sub3A_142, %mul3A_143 : i32
          %add3A_145 = arith.addi %add3A_71, %mul3A_144 : i32
          %dma_wait3A = arith.constant 0 : i32
          %dma_wait3A_146 = arith.constant 0 : i32
          %dma_wait3A_147 = tpu.memref_slice %arg5[%add3A_145, %dma_wait3A, %dma_wait3A_146] : memref<8192x8x1024xf32, #tpu.memory_space<hbm>> -> memref<4x8x1024xf32, #tpu.memory_space<hbm>>
          %dma_wait3A_148 = arith.constant 0 : i32
          %dma_wait3A_149 = arith.constant 0 : i32
          %dma_wait3A_150 = tpu.memref_slice %arg5[%add3A_145, %dma_wait3A_148, %dma_wait3A_149] : memref<8192x8x1024xf32, #tpu.memory_space<hbm>> -> memref<4x8x1024xf32, #tpu.memory_space<hbm>>
          tpu.wait_dma2 semaphore(%arg15 : memref<!tpu.dma_semaphore, #tpu.memory_space<semaphore_mem>>) src(%arg9 : memref<4x8x1024xf32, #tpu.memory_space<vmem>>) dst(%dma_wait3A_150 : memref<4x8x1024xf32, #tpu.memory_space<hbm>>)
        } else {
        }
        %mul3A_133 = arith.constant 4 : i32
        %mul3A_134 = arith.muli %while3A_127, %mul3A_133 : i32
        %add3A_135 = arith.addi %add3A_71, %mul3A_134 : i32
        %dma_start3A = arith.constant 0 : i32
        %dma_start3A_136 = arith.constant 0 : i32
        %dma_start3A_137 = tpu.memref_slice %arg5[%add3A_135, %dma_start3A, %dma_start3A_136] : memref<8192x8x1024xf32, #tpu.memory_space<hbm>> -> memref<4x8x1024xf32, #tpu.memory_space<hbm>>
        %dma_start3A_138 = arith.constant 0 : i32
        %dma_start3A_139 = arith.constant 0 : i32
        %dma_start3A_140 = tpu.memref_slice %arg5[%add3A_135, %dma_start3A_138, %dma_start3A_139] : memref<8192x8x1024xf32, #tpu.memory_space<hbm>> -> memref<4x8x1024xf32, #tpu.memory_space<hbm>>
        tpu.enqueue_dma source(%arg9 : memref<4x8x1024xf32, #tpu.memory_space<vmem>>) target(%dma_start3A_140 : memref<4x8x1024xf32, #tpu.memory_space<hbm>>) target_semaphore(%arg15 : memref<!tpu.dma_semaphore, #tpu.memory_space<semaphore_mem>>)
      }
      %gt3A = arith.constant 0 : i32
      %gt3A_84 = arith.cmpi sgt, %shift_right_arithmetic3A_73, %gt3A : i32
      %convert_element_type3A_85 = arith.extui %gt3A_84 : i1 to i32
      %cond3A_86 = arith.constant 0 : i32
      %cond3A_87 = arith.cmpi ne, %convert_element_type3A_85, %cond3A_86 : i32
      scf.if %cond3A_87 {
        %sub3A_127 = arith.constant 1 : i32
        %sub3A_128 = arith.subi %shift_right_arithmetic3A_73, %sub3A_127 : i32
        %sub3A_129 = arith.constant 0 : i32
        %sub3A_130 = arith.subi %sub3A_128, %sub3A_129 : i32
        %mul3A_131 = arith.constant 4 : i32
        %mul3A_132 = arith.muli %sub3A_130, %mul3A_131 : i32
        %add3A_133 = arith.addi %add3A_71, %mul3A_132 : i32
        %dma_wait3A = arith.constant 0 : i32
        %dma_wait3A_134 = arith.constant 0 : i32
        %dma_wait3A_135 = tpu.memref_slice %arg5[%add3A_133, %dma_wait3A, %dma_wait3A_134] : memref<8192x8x1024xf32, #tpu.memory_space<hbm>> -> memref<4x8x1024xf32, #tpu.memory_space<hbm>>
        %dma_wait3A_136 = arith.constant 0 : i32
        %dma_wait3A_137 = arith.constant 0 : i32
        %dma_wait3A_138 = tpu.memref_slice %arg5[%add3A_133, %dma_wait3A_136, %dma_wait3A_137] : memref<8192x8x1024xf32, #tpu.memory_space<hbm>> -> memref<4x8x1024xf32, #tpu.memory_space<hbm>>
        tpu.wait_dma2 semaphore(%arg15 : memref<!tpu.dma_semaphore, #tpu.memory_space<semaphore_mem>>) src(%arg9 : memref<4x8x1024xf32, #tpu.memory_space<vmem>>) dst(%dma_wait3A_138 : memref<4x8x1024xf32, #tpu.memory_space<hbm>>)
      } else {
      }
      %gt3A_88 = arith.constant 1 : i32
      %gt3A_89 = arith.cmpi sgt, %shift_right_arithmetic3A_73, %gt3A_88 : i32
      %convert_element_type3A_90 = arith.extui %gt3A_89 : i1 to i32
      %cond3A_91 = arith.constant 0 : i32
      %cond3A_92 = arith.cmpi ne, %convert_element_type3A_90, %cond3A_91 : i32
      scf.if %cond3A_92 {
        %sub3A_127 = arith.constant 1 : i32
        %sub3A_128 = arith.subi %shift_right_arithmetic3A_73, %sub3A_127 : i32
        %sub3A_129 = arith.constant 1 : i32
        %sub3A_130 = arith.subi %sub3A_128, %sub3A_129 : i32
        %mul3A_131 = arith.constant 4 : i32
        %mul3A_132 = arith.muli %sub3A_130, %mul3A_131 : i32
        %add3A_133 = arith.addi %add3A_71, %mul3A_132 : i32
        %dma_wait3A = arith.constant 0 : i32
        %dma_wait3A_134 = arith.constant 0 : i32
        %dma_wait3A_135 = tpu.memref_slice %arg5[%add3A_133, %dma_wait3A, %dma_wait3A_134] : memref<8192x8x1024xf32, #tpu.memory_space<hbm>> -> memref<4x8x1024xf32, #tpu.memory_space<hbm>>
        %dma_wait3A_136 = arith.constant 0 : i32
        %dma_wait3A_137 = arith.constant 0 : i32
        %dma_wait3A_138 = tpu.memref_slice %arg5[%add3A_133, %dma_wait3A_136, %dma_wait3A_137] : memref<8192x8x1024xf32, #tpu.memory_space<hbm>> -> memref<4x8x1024xf32, #tpu.memory_space<hbm>>
        tpu.wait_dma2 semaphore(%arg15 : memref<!tpu.dma_semaphore, #tpu.memory_space<semaphore_mem>>) src(%arg9 : memref<4x8x1024xf32, #tpu.memory_space<vmem>>) dst(%dma_wait3A_138 : memref<4x8x1024xf32, #tpu.memory_space<hbm>>)
      } else {
      }
      %gt3A_93 = arith.constant 2 : i32
      %gt3A_94 = arith.cmpi sgt, %shift_right_arithmetic3A_73, %gt3A_93 : i32
      %convert_element_type3A_95 = arith.extui %gt3A_94 : i1 to i32
      %cond3A_96 = arith.constant 0 : i32
      %cond3A_97 = arith.cmpi ne, %convert_element_type3A_95, %cond3A_96 : i32
      scf.if %cond3A_97 {
        %sub3A_127 = arith.constant 1 : i32
        %sub3A_128 = arith.subi %shift_right_arithmetic3A_73, %sub3A_127 : i32
        %sub3A_129 = arith.constant 2 : i32
        %sub3A_130 = arith.subi %sub3A_128, %sub3A_129 : i32
        %mul3A_131 = arith.constant 4 : i32
        %mul3A_132 = arith.muli %sub3A_130, %mul3A_131 : i32
        %add3A_133 = arith.addi %add3A_71, %mul3A_132 : i32
        %dma_wait3A = arith.constant 0 : i32
        %dma_wait3A_134 = arith.constant 0 : i32
        %dma_wait3A_135 = tpu.memref_slice %arg5[%add3A_133, %dma_wait3A, %dma_wait3A_134] : memref<8192x8x1024xf32, #tpu.memory_space<hbm>> -> memref<4x8x1024xf32, #tpu.memory_space<hbm>>
        %dma_wait3A_136 = arith.constant 0 : i32
        %dma_wait3A_137 = arith.constant 0 : i32
        %dma_wait3A_138 = tpu.memref_slice %arg5[%add3A_133, %dma_wait3A_136, %dma_wait3A_137] : memref<8192x8x1024xf32, #tpu.memory_space<hbm>> -> memref<4x8x1024xf32, #tpu.memory_space<hbm>>
        tpu.wait_dma2 semaphore(%arg15 : memref<!tpu.dma_semaphore, #tpu.memory_space<semaphore_mem>>) src(%arg9 : memref<4x8x1024xf32, #tpu.memory_space<vmem>>) dst(%dma_wait3A_138 : memref<4x8x1024xf32, #tpu.memory_space<hbm>>)
      } else {
      }
      %gt3A_98 = arith.constant 3 : i32
      %gt3A_99 = arith.cmpi sgt, %shift_right_arithmetic3A_73, %gt3A_98 : i32
      %convert_element_type3A_100 = arith.extui %gt3A_99 : i1 to i32
      %cond3A_101 = arith.constant 0 : i32
      %cond3A_102 = arith.cmpi ne, %convert_element_type3A_100, %cond3A_101 : i32
      scf.if %cond3A_102 {
        %sub3A_127 = arith.constant 1 : i32
        %sub3A_128 = arith.subi %shift_right_arithmetic3A_73, %sub3A_127 : i32
        %sub3A_129 = arith.constant 3 : i32
        %sub3A_130 = arith.subi %sub3A_128, %sub3A_129 : i32
        %mul3A_131 = arith.constant 4 : i32
        %mul3A_132 = arith.muli %sub3A_130, %mul3A_131 : i32
        %add3A_133 = arith.addi %add3A_71, %mul3A_132 : i32
        %dma_wait3A = arith.constant 0 : i32
        %dma_wait3A_134 = arith.constant 0 : i32
        %dma_wait3A_135 = tpu.memref_slice %arg5[%add3A_133, %dma_wait3A, %dma_wait3A_134] : memref<8192x8x1024xf32, #tpu.memory_space<hbm>> -> memref<4x8x1024xf32, #tpu.memory_space<hbm>>
        %dma_wait3A_136 = arith.constant 0 : i32
        %dma_wait3A_137 = arith.constant 0 : i32
        %dma_wait3A_138 = tpu.memref_slice %arg5[%add3A_133, %dma_wait3A_136, %dma_wait3A_137] : memref<8192x8x1024xf32, #tpu.memory_space<hbm>> -> memref<4x8x1024xf32, #tpu.memory_space<hbm>>
        tpu.wait_dma2 semaphore(%arg15 : memref<!tpu.dma_semaphore, #tpu.memory_space<semaphore_mem>>) src(%arg9 : memref<4x8x1024xf32, #tpu.memory_space<vmem>>) dst(%dma_wait3A_138 : memref<4x8x1024xf32, #tpu.memory_space<hbm>>)
      } else {
      }
      %shift_right_arithmetic3A_103 = arith.constant 2 : i32
      %shift_right_arithmetic3A_104 = arith.shrsi %sub3A, %shift_right_arithmetic3A_103 : i32
      %shift_left3A_105 = arith.constant 2 : i32
      %shift_left3A_106 = arith.shli %shift_right_arithmetic3A_104, %shift_left3A_105 : i32
      %add3A_107 = arith.addi %add3A_71, %shift_left3A_106 : i32
      %and3A_108 = arith.constant 2 : i32
      %and3A_109 = arith.andi %sub3A, %and3A_108 : i32
      %ne3A_110 = arith.constant 0 : i32
      %ne3A_111 = arith.cmpi ne, %and3A_109, %ne3A_110 : i32
      %convert_element_type3A_112 = arith.extui %ne3A_111 : i1 to i32
      %cond3A_113 = arith.constant 0 : i32
      %cond3A_114 = arith.cmpi ne, %convert_element_type3A_112, %cond3A_113 : i32
      scf.if %cond3A_114 {
        %dma_start3A = arith.constant 0 : i32
        %dma_start3A_127 = arith.constant 0 : i32
        %dma_start3A_128 = arith.constant 0 : i32
        %dma_start3A_129 = tpu.memref_slice %arg9[%dma_start3A, %dma_start3A_127, %dma_start3A_128] : memref<4x8x1024xf32, #tpu.memory_space<vmem>> -> memref<2x8x1024xf32, #tpu.memory_space<vmem>>
        %dma_start3A_130 = arith.constant 0 : i32
        %dma_start3A_131 = arith.constant 0 : i32
        %dma_start3A_132 = tpu.memref_slice %arg5[%add3A_107, %dma_start3A_130, %dma_start3A_131] : memref<8192x8x1024xf32, #tpu.memory_space<hbm>> -> memref<2x8x1024xf32, #tpu.memory_space<hbm>>
        %dma_start3A_133 = arith.constant 0 : i32
        %dma_start3A_134 = arith.constant 0 : i32
        %dma_start3A_135 = tpu.memref_slice %arg5[%add3A_107, %dma_start3A_133, %dma_start3A_134] : memref<8192x8x1024xf32, #tpu.memory_space<hbm>> -> memref<2x8x1024xf32, #tpu.memory_space<hbm>>
        %dma_start3A_136 = arith.constant 0 : i32
        %dma_start3A_137 = arith.constant 0 : i32
        %dma_start3A_138 = arith.constant 0 : i32
        %dma_start3A_139 = tpu.memref_slice %arg9[%dma_start3A_136, %dma_start3A_137, %dma_start3A_138] : memref<4x8x1024xf32, #tpu.memory_space<vmem>> -> memref<2x8x1024xf32, #tpu.memory_space<vmem>>
        tpu.enqueue_dma source(%dma_start3A_139 : memref<2x8x1024xf32, #tpu.memory_space<vmem>>) target(%dma_start3A_135 : memref<2x8x1024xf32, #tpu.memory_space<hbm>>) target_semaphore(%arg15 : memref<!tpu.dma_semaphore, #tpu.memory_space<semaphore_mem>>)
        %dma_wait3A = arith.constant 0 : i32
        %dma_wait3A_140 = arith.constant 0 : i32
        %dma_wait3A_141 = arith.constant 0 : i32
        %dma_wait3A_142 = tpu.memref_slice %arg9[%dma_wait3A, %dma_wait3A_140, %dma_wait3A_141] : memref<4x8x1024xf32, #tpu.memory_space<vmem>> -> memref<2x8x1024xf32, #tpu.memory_space<vmem>>
        %dma_wait3A_143 = arith.constant 0 : i32
        %dma_wait3A_144 = arith.constant 0 : i32
        %dma_wait3A_145 = tpu.memref_slice %arg5[%add3A_107, %dma_wait3A_143, %dma_wait3A_144] : memref<8192x8x1024xf32, #tpu.memory_space<hbm>> -> memref<2x8x1024xf32, #tpu.memory_space<hbm>>
        %dma_wait3A_146 = arith.constant 0 : i32
        %dma_wait3A_147 = arith.constant 0 : i32
        %dma_wait3A_148 = tpu.memref_slice %arg5[%add3A_107, %dma_wait3A_146, %dma_wait3A_147] : memref<8192x8x1024xf32, #tpu.memory_space<hbm>> -> memref<2x8x1024xf32, #tpu.memory_space<hbm>>
        %dma_wait3A_149 = arith.constant 0 : i32
        %dma_wait3A_150 = arith.constant 0 : i32
        %dma_wait3A_151 = arith.constant 0 : i32
        %dma_wait3A_152 = tpu.memref_slice %arg9[%dma_wait3A_149, %dma_wait3A_150, %dma_wait3A_151] : memref<4x8x1024xf32, #tpu.memory_space<vmem>> -> memref<2x8x1024xf32, #tpu.memory_space<vmem>>
        tpu.wait_dma2 semaphore(%arg15 : memref<!tpu.dma_semaphore, #tpu.memory_space<semaphore_mem>>) src(%dma_wait3A_152 : memref<2x8x1024xf32, #tpu.memory_space<vmem>>) dst(%dma_wait3A_148 : memref<2x8x1024xf32, #tpu.memory_space<hbm>>)
      } else {
      }
      %shift_right_arithmetic3A_115 = arith.constant 1 : i32
      %shift_right_arithmetic3A_116 = arith.shrsi %sub3A, %shift_right_arithmetic3A_115 : i32
      %shift_left3A_117 = arith.constant 1 : i32
      %shift_left3A_118 = arith.shli %shift_right_arithmetic3A_116, %shift_left3A_117 : i32
      %add3A_119 = arith.addi %add3A_71, %shift_left3A_118 : i32
      %and3A_120 = arith.constant 1 : i32
      %and3A_121 = arith.andi %sub3A, %and3A_120 : i32
      %ne3A_122 = arith.constant 0 : i32
      %ne3A_123 = arith.cmpi ne, %and3A_121, %ne3A_122 : i32
      %convert_element_type3A_124 = arith.extui %ne3A_123 : i1 to i32
      %cond3A_125 = arith.constant 0 : i32
      %cond3A_126 = arith.cmpi ne, %convert_element_type3A_124, %cond3A_125 : i32
      scf.if %cond3A_126 {
        %dma_start3A = arith.constant 0 : i32
        %dma_start3A_127 = arith.constant 0 : i32
        %dma_start3A_128 = arith.constant 0 : i32
        %dma_start3A_129 = tpu.memref_slice %arg9[%dma_start3A, %dma_start3A_127, %dma_start3A_128] : memref<4x8x1024xf32, #tpu.memory_space<vmem>> -> memref<1x8x1024xf32, #tpu.memory_space<vmem>>
        %dma_start3A_130 = arith.constant 0 : i32
        %dma_start3A_131 = arith.constant 0 : i32
        %dma_start3A_132 = tpu.memref_slice %arg5[%add3A_119, %dma_start3A_130, %dma_start3A_131] : memref<8192x8x1024xf32, #tpu.memory_space<hbm>> -> memref<1x8x1024xf32, #tpu.memory_space<hbm>>
        %dma_start3A_133 = arith.constant 0 : i32
        %dma_start3A_134 = arith.constant 0 : i32
        %dma_start3A_135 = tpu.memref_slice %arg5[%add3A_119, %dma_start3A_133, %dma_start3A_134] : memref<8192x8x1024xf32, #tpu.memory_space<hbm>> -> memref<1x8x1024xf32, #tpu.memory_space<hbm>>
        %dma_start3A_136 = arith.constant 0 : i32
        %dma_start3A_137 = arith.constant 0 : i32
        %dma_start3A_138 = arith.constant 0 : i32
        %dma_start3A_139 = tpu.memref_slice %arg9[%dma_start3A_136, %dma_start3A_137, %dma_start3A_138] : memref<4x8x1024xf32, #tpu.memory_space<vmem>> -> memref<1x8x1024xf32, #tpu.memory_space<vmem>>
        tpu.enqueue_dma source(%dma_start3A_139 : memref<1x8x1024xf32, #tpu.memory_space<vmem>>) target(%dma_start3A_135 : memref<1x8x1024xf32, #tpu.memory_space<hbm>>) target_semaphore(%arg15 : memref<!tpu.dma_semaphore, #tpu.memory_space<semaphore_mem>>)
        %dma_wait3A = arith.constant 0 : i32
        %dma_wait3A_140 = arith.constant 0 : i32
        %dma_wait3A_141 = arith.constant 0 : i32
        %dma_wait3A_142 = tpu.memref_slice %arg9[%dma_wait3A, %dma_wait3A_140, %dma_wait3A_141] : memref<4x8x1024xf32, #tpu.memory_space<vmem>> -> memref<1x8x1024xf32, #tpu.memory_space<vmem>>
        %dma_wait3A_143 = arith.constant 0 : i32
        %dma_wait3A_144 = arith.constant 0 : i32
        %dma_wait3A_145 = tpu.memref_slice %arg5[%add3A_119, %dma_wait3A_143, %dma_wait3A_144] : memref<8192x8x1024xf32, #tpu.memory_space<hbm>> -> memref<1x8x1024xf32, #tpu.memory_space<hbm>>
        %dma_wait3A_146 = arith.constant 0 : i32
        %dma_wait3A_147 = arith.constant 0 : i32
        %dma_wait3A_148 = tpu.memref_slice %arg5[%add3A_119, %dma_wait3A_146, %dma_wait3A_147] : memref<8192x8x1024xf32, #tpu.memory_space<hbm>> -> memref<1x8x1024xf32, #tpu.memory_space<hbm>>
        %dma_wait3A_149 = arith.constant 0 : i32
        %dma_wait3A_150 = arith.constant 0 : i32
        %dma_wait3A_151 = arith.constant 0 : i32
        %dma_wait3A_152 = tpu.memref_slice %arg9[%dma_wait3A_149, %dma_wait3A_150, %dma_wait3A_151] : memref<4x8x1024xf32, #tpu.memory_space<vmem>> -> memref<1x8x1024xf32, #tpu.memory_space<vmem>>
        tpu.wait_dma2 semaphore(%arg15 : memref<!tpu.dma_semaphore, #tpu.memory_space<semaphore_mem>>) src(%dma_wait3A_152 : memref<1x8x1024xf32, #tpu.memory_space<vmem>>) dst(%dma_wait3A_148 : memref<1x8x1024xf32, #tpu.memory_space<hbm>>)
      } else {
      }
    }
    %scan3A_5 = arith.constant 3 : i32
    return
  }
}

</mosaic_0001>

<sc_bundles>
// kernel: kernel.3.cloned.1.call-start
scs
__scs_entry_jumppad:
0x0: {  	(pc) =	sbr.rel $0x88, $3  }
0x1: {  	(tag) =	ssettag $0x0;
	lr =	simm.s32 $0x1  }
0x2: {  	[smem:$0x3F9F] =	sst lr;
	_ =	strace $0xD0000000  }
0x3: {  	_ = 	snop  }
0x4: {  	_ = 	snop  }
0x5: {  	_ = 	snop  }
0x6: {  	_ = 	snop  }
0x7: {  	_ = 	snop  }
__scs_overlays_trampoline_lowered:
0x8: {  	[smem:$0x3FAE] =	sst s0  }
0x9: {  	[smem:$0x3FAF] =	sst s1  }
0xa: {  	[smem:$0x3FB0] =	sst s2  }
0xb: {  	[smem:$0x3FB1] =	sst s3  }
0xc: {  	[smem:$0x3FB2] =	sst s4  }
0xd: {  	[smem:$0x3FB3] =	sst s5  }
0xe: {  	[smem:$0x3FB4] =	sst s6  }
0xf: {  	[smem:$0x3FB5] =	sst s7  }
0x10: {  	[smem:$0x3FB6] =	sst s8  }
0x11: {  	[smem:$0x3FB7] =	sst s9;
	s0 =	simm.s32 @!p0 $0x0  }
0x12: {  	s1 =	sld [smem:$0x3F9D];
	s0 =	simm.s32 @p0 $0x1  }
0x13: {  	[smem:$0x3FB8] =	sst s0;
	s0 =	simm.s32 @!p1 $0x0  }
0x14: {  	s2 =	sld [smem:$0x3F9C];
	s0 =	simm.s32 @p1 $0x1  }
0x15: {  	[smem:$0x3FB9] =	sst s0;
	s0 =	simm.s32 @!p2 $0x0  }
0x16: {  	s3 =	sld [smem:$0x3FDB];
	s0 =	simm.s32 @p2 $0x1  }
0x17: {  	s4 =	simm.s32 $0x1BF5;
	[smem:$0x3FBB] =	sst s0  }
0x18: {  	s0 =	sld [smem:$0x3F9E];
	_ =	swait.ge [sflag:s4], $0x0  }
0x19: {  	s7 =	sld [smem:$0x3F9F]  }
0x1a: {  	s8 =	sadd.s32 $0xFFFFE003, lr  }
0x1b: {  	s9 =	sadd.s32 $0xFFFFFEF7, lr;
	s5 =	simm.s32 $0xFFFFFFFF;
	p2 =	slt.u32 s8, $0xFFFFF086  }
0x1c: {  	p1 =	slt.u32 s9, $0xF7A;
	s5 =	simm.s32 @!p2 $0x0  }
0x1d: {  	s5 =	simm.s32 @p1 $0x1;
	p0 =	seq.s32 s7, s2  }
0x1e: {  	s7 =	smul.u32 @!p0 $0xF7A, s2;
	p2 =	seq.s32 @!p0 s5, $0x0  }
0x1f: {  	s9 =	smul.u32 $0xF7A, s1;
	s8 =	simm.s32 @!p0 $0x1BF5;
	p2 =	por !p2, p0  }
0x20: {  	[sflag:s8] =	ssyncset.s32 @!p0 $0xFFFFF086;
	s6 =	sadd.s32 @!p0 s3, s7;
	s7 =	simm.s32 @!p0 $0x108  }
0x21: {  	s3 =	sadd.s32 s3, s9;
	s6 =	sadd.s32 @!p0 $0x88, s6;
	s7 =	simm.s32 @p2 $0x1082  }
0x22: {  	[simem:s7], [sflag:s8] =	dma.local @!p0 [hbm:s6], $0xF7A  }
0x23: {  	s9 =	sor.u32 $0xD0000000, s2;
	s6 =	simm.s32 $0x108;
	_ =	swait.ge @!p0 [sflag:s8], $0x0  }
0x24: {  	s3 =	sadd.s32 $0x88, s3;
	s6 =	simm.s32 @!p1 $0x1082;
	[sflag:s4] =	ssyncset.s32 $0xFFFFF086  }
0x25: {  	[simem:s6], [sflag:s4] =	dma.local [hbm:s3], $0xF7A  }
0x26: {  	[smem:$0x3F9F] =	sst s1;
	(tag) =	ssettag s2;
	_ =	strace s9  }
0x27: {  	s1 =	sld [smem:$0x3FAF]  }
0x28: {  	s2 =	sld [smem:$0x3FB0]  }
0x29: {  	s4 =	sld [smem:$0x3FB2]  }
0x2a: {  	p0 =	seq.s32 s5, $0x0;
	s5 =	sld [smem:$0x3FB3]  }
0x2b: {  	s6 =	sld [smem:$0x3FB4]  }
0x2c: {  	s7 =	sld [smem:$0x3FB5]  }
0x2d: {  	s3 =	simm.s32 $0x108;
	s8 =	sld [smem:$0x3FB6]  }
0x2e: {  	s3 =	simm.s32 @!p0 $0x1082;
	s9 =	sld [smem:$0x3FB7]  }
0x2f: {  	lr =	sadd.s32 s0, s3;
	s0 =	sld [smem:$0x3FAE]  }
0x30: {  	s3 =	sld [smem:$0x3FB1]  }
0x31: {  	[smem:$0x3FBA] =	sst s10  }
0x32: {  	s10 =	sld [smem:$0x3FB8];
	_ =	sdelay $0x3  }
0x33: {  	p0 =	seq.s32 s10, $0x1;
	s10 =	sld [smem:$0x3FBA];
	_ =	sdelay $0x3  }
0x34: {  	[smem:$0x3FBA] =	sst s10  }
0x35: {  	s10 =	sld [smem:$0x3FB9];
	_ =	sdelay $0x3  }
0x36: {  	p1 =	seq.s32 s10, $0x1;
	s10 =	sld [smem:$0x3FBA];
	_ =	sdelay $0x3  }
0x37: {  	[smem:$0x3FBA] =	sst s10  }
0x38: {  	s10 =	sld [smem:$0x3FBB]  }
0x39: {  	_ = 	snop;
	(pc) =	sbr.ind lr, $3  }
0x3a: {  	_ = 	snop  }
0x3b: {  	_ = 	snop  }
0x3c: {  	p2 =	seq.s32 s10, $0x1;
	s10 =	sld [smem:$0x3FBA]  }
0x3d: {  	_ =	shalt  }
0x3e: {  	_ =	shalt  }
0x3f: {  	_ =	shalt  }
0x40: {  	_ =	shalt  }
0x41: {  	_ =	shalt  }
0x42: {  	_ =	shalt  }
0x43: {  	_ =	shalt  }
0x44: {  	_ =	shalt  }
0x45: {  	_ =	shalt  }
0x46: {  	_ =	shalt  }
0x47: {  	_ =	shalt  }
0x48: {  	_ =	shalt  }
0x49: {  	_ =	shalt  }
0x4a: {  	_ =	shalt  }
0x4b: {  	_ =	shalt  }
0x4c: {  	_ =	shalt  }
0x4d: {  	_ =	shalt  }
0x4e: {  	_ =	shalt  }
0x4f: {  	_ =	shalt  }
0x50: {  	_ =	shalt  }
0x51: {  	_ =	shalt  }
0x52: {  	_ =	shalt  }
0x53: {  	_ =	shalt  }
0x54: {  	_ =	shalt  }
0x55: {  	_ =	shalt  }
0x56: {  	_ =	shalt  }
0x57: {  	_ =	shalt  }
0x58: {  	_ =	shalt  }
0x59: {  	_ =	shalt  }
0x5a: {  	_ =	shalt  }
0x5b: {  	_ =	shalt  }
0x5c: {  	_ =	shalt  }
0x5d: {  	_ =	shalt  }
0x5e: {  	_ =	shalt  }
0x5f: {  	_ =	shalt  }
0x60: {  	_ =	shalt  }
0x61: {  	_ =	shalt  }
0x62: {  	_ =	shalt  }
0x63: {  	_ =	shalt  }
0x64: {  	_ =	shalt  }
0x65: {  	_ =	shalt  }
0x66: {  	_ =	shalt  }
0x67: {  	_ =	shalt  }
0x68: {  	_ =	shalt  }
0x69: {  	_ =	shalt  }
0x6a: {  	_ =	shalt  }
0x6b: {  	_ =	shalt  }
0x6c: {  	_ =	shalt  }
0x6d: {  	_ =	shalt  }
0x6e: {  	_ =	shalt  }
0x6f: {  	_ =	shalt  }
0x70: {  	_ =	shalt  }
0x71: {  	_ =	shalt  }
0x72: {  	_ =	shalt  }
0x73: {  	_ =	shalt  }
0x74: {  	_ =	shalt  }
0x75: {  	_ =	shalt  }
0x76: {  	_ =	shalt  }
0x77: {  	_ =	shalt  }
0x78: {  	_ =	shalt  }
0x79: {  	_ =	shalt  }
0x7a: {  	_ =	shalt  }
0x7b: {  	_ =	shalt  }
0x7c: {  	_ =	shalt  }
0x7d: {  	_ =	shalt  }
0x7e: {  	_ =	shalt  }
0x7f: {  	_ =	shalt  }
0x80: {  	_ =	shalt  }
0x81: {  	_ =	shalt  }
0x82: {  	_ =	shalt  }
0x83: {  	_ =	shalt  }
0x84: {  	_ =	shalt  }
0x85: {  	_ =	shalt  }
0x86: {  	_ =	shalt  }
0x87: {  	_ =	shalt  }
.Lfunc_end0:
.L_simem_size_0:
called_computation_lowered:
.L_overlay_start_0:
0x88: {  	s2 =	sld [smem:$0x3FD9]  }
0x89: {  	s3 =	sld [smem:$0x3FFE];
	_ =	sdelay $0x1  }
0x8a: {  	s1 =	srdreg.scid  }
0x8b: {  	s0 =	sand.u32 $0x1, s1  }
0x8c: {  	s17 =	sshll.u32 s0, $0xA;
	s2 =	sadd.s32 s3, s2  }
0x8d: {  	s2 =	sadd.s32 s2, s17  }
0x8e: {  	[smem:$0x3FC6] =	sst s2  }
0x8f: {  	_ = 	snop  }
0x90: {  	s2 =	sld [smem:$0x3FC9]  }
0x91: {  	s18 =	sld [smem:$0x3FD0];
	(tm) =	ssettm $0x1  }
0x92: {  	s4 =	sld [smem:$0x3FFB];
	_ =	sdelay $0x3  }
0x93: {  	_ =	strace s4  }
0x94: {  	s4 =	sld [smem:$0x3FFC];
	_ =	sdelay $0x3  }
0x95: {  	_ =	strace s4  }
0x96: {  	s4 =	sld [smem:$0x3FFD];
	_ =	sdelay $0x3  }
0x97: {  	_ =	strace s4  }
0x98: {  	_ =	strace $0x8FFFFFFF  }
0x99: {  	s19 =	sld [smem:$0x3FDB];
	_ =	sdelay $0x1  }
0x9a: {  	s5 =	simm.s32 $_scs_section_size  }
0x9b: {  	s6 =	simm.s32 $_size__tile_overlayer_lowered;
	s7 =	simm.s32 $_tile_overlayer_lowered  }
0x9c: {  	s22 =	simm.s32 $0x1BFF;
	s21 =	sshll.u32 s7, $0x1;
	s4 =	sadd.s32 s5, s19  }
0x9d: {  	s8 =	simm.s32 $0x0;
	s20 =	sshll.u32 s6, $0x1;
	s6 =	sadd.s32 s21, s4  }
0x9e: {  	[timem:s8], [sflag:s22] =	dma.local [hbm:s6], s20  }
0x9f: {  	_ =	swait.ge [sflag:s22], s20  }
0xa0: {  	s5 =	ssub.s32 $0x0, s20;
	[sflag:s22] =	ssyncset.done $0x0  }
0xa1: {  	[sflag:s22] =	ssyncadd.s32 s5;
	_ =	sdelay $0x1  }
0xa2: {  	s23 =	simm.s32 $0x1B8B  }
0xa3: {  	_ =	swait.ge [sflag:s23], $0x1  }
0xa4: {  	[sflag:s23] =	ssyncset.done $0x0  }
0xa5: {  	s25 =	simm.s32 $0x1B8E;
	s24 =	sld [smem:$0x3FFE];
	[sflag:s23] =	ssyncadd.s32 $0xFFFFFFFF  }
0xa6: {  	s26 =	simm.s32 $execute0_lowered;
	[smem:$0x3FD2] =	sst s25  }
0xa7: {  	s6 =	sshll.u32 s26, $0x1;
	_ =	strace $0x80000046;
	[dreg:$0x1] =	wrdreg $0xFFFFFFFF  }
0xa8: {  	s28 =	simm.s32 $_size_execute0_lowered;
	s4 =	sadd.s32 s4, s6;
	[dreg:$0x0] =	wrdreg $0x0  }
0xa9: {  	s6 =	sshll.u32 s28, $0x1;
	[dreg:$0x2] =	wrdreg s4  }
0xaa: {  	[dreg:$0x3] =	wrdreg s6  }
0xab: {  	[dreg:$0x4] =	wrdreg $0xC0  }
0xac: {  	_ =	task [dreg:s8], $0x5FFFF  }
0xad: {  	[dreg:$0x1] =	wrdreg $0xFFFFFFFF  }
0xae: {  	[dreg:$0x0] =	wrdreg $0x60  }
0xaf: {  	[dreg:$0x2] =	wrdreg s2  }
0xb0: {  	[dreg:$0x3] =	wrdreg s24  }
0xb1: {  	[dreg:$0x4] =	wrdreg s18  }
0xb2: {  	[dreg:$0x5] =	wrdreg $0x9  }
0xb3: {  	_ =	task.clear_ibuf [dreg:s8], $0x6FFFF;
	_ =	strace $0x90000046  }
0xb4: {  	s29 =	simm.s32 $0x9;
	_ =	strace $0x80000048  }
0xb5: {  	_ =	swait.ge [sflag:s29], $0x1  }
0xb6: {  	[sflag:s29] =	ssyncadd.s32 $0xFFFFFFFF  }
0xb7: {  	_ =	strace $0x90000048  }
0xb8: {  	_ =	sfence  }
0xb9: {  	s30 =	sld [smem:$0x0];
	_ =	sdelay $0x2  }
0xba: {  	s31 =	sshll.u32 s1, $0xD;
	s1 =	sshrl.u32 s1, $0x2  }
0xbb: {  	s3 =	sand.u32 $0x4000, s31;
	s1 =	sadd.s32 s1, s30  }
0xbc: {  	s0 =	sor.u32 s3, s0;
	s1 =	sshll.u32 s1, $0x11  }
0xbd: {  	s0 =	sor.u32 s1, s0  }
0xbe: {  	s0 =	sadd.s32 $0x8F2B, s0  }
0xbf: {  	[sflag:s0] =	ssyncadd.remote.s32 $0x1  }
0xc0: {  	_ =	sfence.sel $0xFFFF  }
0xc1: {  	[dreg:$0x0] =	wrdreg $0xFFFFFFFF;
	(pc) =	sbr.abs _section_cstart, $3  }
0xc2: {  	[dreg:$0x1] =	wrdreg $0xFFFFFFFF  }
0xc3: {  	_ =	task.clear_ibuf [dreg:s8], $0x2FFFF;
	_ =	strace $0x9FFFFFFF  }
0xc4: {  	(tm) =	ssettm $0x7FFFFFFF  }
0xc5: {  	_ =	shalt  }
tec
execute0_lowered:
.L_overlay_start_1:
0x0: {  	(tag) =	ssettag $0x1  }
0x1: {  	s1 =	rddreg [dreg:$0x0]  }
0x2: {  	s6 =	rddreg [dreg:$0x1]  }
0x3: {  	s2 =	rddreg [dreg:$0x2]  }
0x4: {  	s0 =	rddreg [dreg:$0x3]  }
0x5: {  	s3 =	simm.s32 $0x0;
	s4 =	srdreg.scid;
	s11 =	simm.s32 $0x5  }
0x6: {  	s12 =	simm.s32 $0x3000;
	s13 =	simm.s32 $0x1;
	s14 =	simm.s32 $0xB000  }
0x7: {  	s15 =	simm.s32 $0x2;
	s16 =	simm.s32 $0x3;
	s17 =	simm.s32 $0x4  }
0x8: {  	s18 =	simm.s32 $0x1B000;
	s19 =	simm.s32 $0x0;
	[smem:$0x7FF] =	sst s3  }
.Ltmp0:
0x9: {  	s7 =	sand.u32 $0x1, s4;
	s5 =	sadd.s32 $0x200, s6;
	(pc) =	sbr.rel .LBB2_1-.Ltmp0, $4  }
0xa: {  	s4 =	stileid.u32;
	s6 =	sadd.s32 $0x800, s6;
	s8 =	ssub.s32 $0x2, s7  }
0xb: {  	s10 =	sshll.u32 s4, $0x8;
	s7 =	sshll.u32 s7, $0x7;
	s9 =	sshrl.u32 s8, $0x1  }
0xc: {  	_ =	strace $0x80000047;
	s7 =	sor.u32 s7, s10;
	s8 =	ssub.s32 s8, s9  }
0xd: {  	v0 =	vimm.f32 $0.0e+00;
	s10 =	simm.s32 $0x6;
	s9 =	simm.s32 $0x13000;
	s8 =	smax.u32 s8, $0x1  }
.LBB2_36:
0xe: {  	s19 =	sadd.s32 $0x1, s19  }
0xf: {  	p0 =	sne.s32 s19, s8  }
.Ltmp1:
0x10: {  	_ = 	snop;
	(pc) =	sbr.rel @!p0 .LBB2_37-.Ltmp1, $1  }
0x11: {  	_ =	sdelay $0x3  }
.LBB2_1:
0x12: {  	[tilespmem:s9], [sflag:$0x5] =	stream.linear.gather [hbm4b:s6+s3], $0x8000, $0x38;
	[tilespmem:$0x1D000] =	vst v63  }
0x13: {  	_ = 	snop  }
0x14: {  	[tilespmem:s3], [sflag:$0x6] =	stream.linear.gather [hbm4b:s5+s3], $0x3000, $0x38;
	[tilespmem:$0x1D000] =	vst v63  }
0x15: {  	_ =	swait.ge [sflag:s10], $0x3000  }
.Ltmp2:
0x16: {  	[sflag:s10] =	ssyncset.done $0x0;
	(pc) =	sbr.rel .LBB2_2-.Ltmp2, $4  }
0x17: {  	[sflag:s10] =	ssyncadd.s32 $0xFFFFD000  }
0x18: {  	_ =	swait.ge [sflag:s11], $0x8000  }
0x19: {  	[sflag:s11] =	ssyncset.done $0x0  }
0x1a: {  	s20 =	simm.s32 $0x0;
	[sflag:s11] =	ssyncadd.s32 $0xFFFF8000  }
.LBB2_34:
0x1b: {  	_ =	swait.ge [sflag:s11], $0x8000  }
0x1c: {  	[sflag:s11] =	ssyncset.done $0x0  }
0x1d: {  	s24 =	simm.s32 @!p0 $0x5;
	[sflag:s11] =	ssyncadd.s32 $0xFFFF8000  }
0x1e: {  	p1 =	slt.u32 @!p0 s23, $0x3;
	_ =	swait.ge @!p0 [sflag:s24], $0x8000  }
0x1f: {  	p2 =	por p1, p0;
	[sflag:s24] =	ssyncset.done @!p0 $0x0  }
0x20: {  	p3 =	seq.s32 @!p2 s23, $0x3;
	[sflag:s24] =	ssyncadd.s32 @!p0 $0xFFFF8000;
	s24 =	simm.s32 @!p2 $0x5  }
0x21: {  	p1 =	por @!p0 p3, p1;
	_ =	swait.ge @!p2 [sflag:s24], $0x8000  }
0x22: {  	p0 =	por p1, p0;
	[sflag:s24] =	ssyncset.done @!p2 $0x0  }
0x23: {  	s23 =	simm.s32 @!p0 $0x5;
	[sflag:s24] =	ssyncadd.s32 @!p2 $0xFFFF8000  }
0x24: {  	_ =	swait.ge @!p0 [sflag:s23], $0x8000  }
0x25: {  	[sflag:s23] =	ssyncset.done @!p0 $0x0  }
0x26: {  	[sflag:s23] =	ssyncadd.s32 @!p0 $0xFFFF8000  }
.LBB2_35:
0x27: {  	s23 =	sand.u32 $0x2, s21  }
0x28: {  	p1 =	seq.s32 s23, $0x0  }
0x29: {  	s23 =	sand.u32 @!p1 $0x7FFFC, s21  }
0x2a: {  	s31 =	sand.u32 $0x1, s21;
	s23 =	sadd.s32 @!p1 s22, s23  }
0x2b: {  	p0 =	seq.s32 s31, $0x0;
	s23 =	sshll.u32 @!p1 s23, $0xA  }
0x2c: {  	s24 =	simm.s32 @!p1 $0x0;
	s21 =	sand.u32 @!p0 $0x7FFFE, s21;
	s23 =	sand.u32 @!p1 $0x1FFFFC00, s23  }
0x2d: {  	s25 =	simm.s32 @!p1 $0x13000;
	s21 =	sadd.s32 @!p0 s22, s21;
	s23 =	sadd.s32 @!p1 s2, s23  }
0x2e: {  	[hbm4b:s23+s24] =	stream.linear.scatter @!p1 [tilespmem:s25], [sflag:$0x5], $0x4000, $0x38;
	[tilespmem:$0x1D000] =	vst v63  }
0x2f: {  	s21 =	sshll.u32 @!p0 s21, $0xA;
	s23 =	simm.s32 @!p1 $0x5  }
0x30: {  	s20 =	sadd.s32 $0x1, s20;
	s21 =	sand.u32 @!p0 $0x1FFFFC00, s21;
	_ =	swait.ge @!p1 [sflag:s23], $0x4000  }
0x31: {  	s22 =	simm.s32 @!p0 $0x0;
	s21 =	sadd.s32 @!p0 s2, s21;
	[sflag:s23] =	ssyncset.done @!p1 $0x0  }
0x32: {  	[sflag:s23] =	ssyncadd.s32 @!p1 $0xFFFFC000;
	s23 =	simm.s32 @!p0 $0x13000;
	p1 =	sne.s32 s20, $0x3  }
0x33: {  	[hbm4b:s21+s22] =	stream.linear.scatter @!p0 [tilespmem:s23], [sflag:$0x5], $0x2000, $0x38;
	[tilespmem:$0x1D000] =	vst v63  }
.Ltmp3:
0x34: {  	_ = 	snop;
	(pc) =	sbr.rel @!p1 .LBB2_36-.Ltmp3, $4  }
0x35: {  	s21 =	simm.s32 @!p0 $0x5  }
0x36: {  	_ =	swait.ge @!p0 [sflag:s21], $0x2000  }
0x37: {  	[sflag:s21] =	ssyncset.done @!p0 $0x0  }
0x38: {  	[sflag:s21] =	ssyncadd.s32 @!p0 $0xFFFFE000  }
.LBB2_2:
0x39: {  	s21 =	sshll.u32 s20, $0xC  }
0x3a: {  	s21 =	sand.u32 $0x3FFFF000, s21  }
0x3b: {  	s21 =	sor.u32 s21, s7  }
0x3c: {  	v1 =	vld [tilespmem:s21+$0x0];
	_ =	sdelay $0x4  }
0x3d: {  	(v2sf) =	vpush v1, $0x0;
	_ =	sdelay $0x5  }
0x3e: {  	(v2sf) =	vpush v1, $0x1  }
0x3f: {  	(v2sf) =	vpush v1, $0x2;
	_ =	sdelay $0x7  }
0x40: {  	s24 =	spop (v2sf)  }
0x41: {  	s22 =	sshra.s32 s24, $0x6  }
0x42: {  	p0 =	slt.s32 s22, $0x1  }
.Ltmp4:
0x43: {  	_ = 	snop;
	(pc) =	sbr.rel @p0 .LBB2_8-.Ltmp4, $3  }
0x44: {  	_ =	sdelay $0x1  }
0x45: {  	s23 =	spop (v2sf)  }
0x46: {  	s21 =	spop (v2sf)  }
0x47: {  	s26 =	sshll.u32 s23, $0xD  }
0x48: {  	s25 =	sshrl.u32 s26, $0x3  }
0x49: {  	s28 =	sadd.s32 s1, s25  }
0x4a: {  	[tilespmem:s12], [sflag:$0x1] =	stream.linear.gather [hbm4b:s28+s3], $0x8000, $0x38;
	[tilespmem:$0x1D000] =	vst v63  }
0x4b: {  	_ =	swait.ge [sflag:s13], $0x8000  }
0x4c: {  	[sflag:s13] =	ssyncset.done $0x0  }
0x4d: {  	s25 =	sadd.s32 s2, s25;
	[sflag:s13] =	ssyncadd.s32 $0xFFFF8000  }
0x4e: {  	[hbm4b:s25+s3] =	stream.linear.scatter [tilespmem:s12], [sflag:$0x3], $0x8000, $0x38;
	[tilespmem:$0x1D000] =	vst v63  }
0x4f: {  	s25 =	sshll.u32 s23, $0xA  }
0x50: {  	s31 =	sadd.s32 $0x1000, s25  }
0x51: {  	s28 =	sand.u32 $0x1FFFFC00, s31  }
0x52: {  	p0 =	seq.s32 s22, $0x1;
	s29 =	sadd.s32 s1, s28  }
0x53: {  	[tilespmem:s14], [sflag:$0x2] =	stream.linear.gather [hbm4b:s29+s3], $0x8000, $0x38;
	[tilespmem:$0x1D000] =	vst v63  }
.Ltmp5:
0x54: {  	_ = 	snop;
	(pc) =	sbr.rel @p0 .LBB2_7-.Ltmp5, $4  }
0x55: {  	_ =	swait.ge [sflag:s15], $0x8000  }
0x56: {  	[sflag:s15] =	ssyncset.done $0x0  }
0x57: {  	s28 =	sadd.s32 s2, s28;
	[sflag:s15] =	ssyncadd.s32 $0xFFFF8000  }
0x58: {  	[hbm4b:s28+s3] =	stream.linear.scatter [tilespmem:s14], [sflag:$0x4], $0x8000, $0x38;
	[tilespmem:$0x1D000] =	vst v63  }
0x59: {  	s26 =	sadd.s32 $0x10000, s26;
	_ =	swait.ge [sflag:s16], $0x8000  }
0x5a: {  	[sflag:s16] =	ssyncset.done $0x0;
	s28 =	sshrl.u32 s26, $0x3  }
0x5b: {  	[sflag:s16] =	ssyncadd.s32 $0xFFFF8000;
	s29 =	sadd.s32 s1, s28  }
0x5c: {  	[tilespmem:s12], [sflag:$0x1] =	stream.linear.gather [hbm4b:s29+s3], $0x8000, $0x38;
	[tilespmem:$0x1D000] =	vst v63  }
0x5d: {  	_ =	swait.ge [sflag:s13], $0x8000  }
0x5e: {  	[sflag:s13] =	ssyncset.done $0x0  }
0x5f: {  	s28 =	sadd.s32 s2, s28;
	[sflag:s13] =	ssyncadd.s32 $0xFFFF8000  }
0x60: {  	[hbm4b:s28+s3] =	stream.linear.scatter [tilespmem:s12], [sflag:$0x3], $0x8000, $0x38;
	[tilespmem:$0x1D000] =	vst v63  }
0x61: {  	s30 =	sadd.s32 $0x3000, s25;
	s22 =	sadd.s32 $0xFFFFFFFF, s22;
	_ =	swait.ge [sflag:s17], $0x8000  }
0x62: {  	p0 =	sne.s32 s22, $0x1;
	s28 =	sand.u32 $0x1FFFFC00, s30;
	[sflag:s17] =	ssyncset.done $0x0  }
.Ltmp6:
0x63: {  	s31 =	sadd.s32 s1, s28;
	[sflag:s17] =	ssyncadd.s32 $0xFFFF8000;
	(pc) =	sbr.rel @!p0 .LBB2_6-.Ltmp6, $4  }
0x64: {  	[tilespmem:s14], [sflag:$0x2] =	stream.linear.gather [hbm4b:s31+s3], $0x8000, $0x38;
	[tilespmem:$0x1D000] =	vst v63  }
0x65: {  	_ =	swait.ge [sflag:s15], $0x8000  }
0x66: {  	s22 =	sadd.s32 $0xFFFFFFFF, s22;
	s25 =	sadd.s32 $0x10000, s26;
	[sflag:s15] =	ssyncset.done $0x0  }
0x67: {  	s26 =	sadd.s32 $0x2000, s30;
	s28 =	sadd.s32 s2, s28;
	[sflag:s15] =	ssyncadd.s32 $0xFFFF8000  }
.LBB2_5:
0x68: {  	[hbm4b:s28+s3] =	stream.linear.scatter [tilespmem:s14], [sflag:$0x4], $0x8000, $0x38;
	[tilespmem:$0x1D000] =	vst v63  }
0x69: {  	p0 =	sne.s32 s22, $0x1;
	s22 =	sadd.s32 $0xFFFFFFFF, s22;
	_ =	swait.ge [sflag:s16], $0x8000  }
0x6a: {  	s28 =	sshrl.u32 s25, $0x3;
	[sflag:s16] =	ssyncset.done $0x0  }
0x6b: {  	s29 =	sadd.s32 s1, s28;
	[sflag:s16] =	ssyncadd.s32 $0xFFFF8000  }
0x6c: {  	[tilespmem:s12], [sflag:$0x1] =	stream.linear.gather [hbm4b:s29+s3], $0x8000, $0x38;
	[tilespmem:$0x1D000] =	vst v63  }
0x6d: {  	_ =	swait.ge [sflag:s13], $0x8000  }
0x6e: {  	[sflag:s13] =	ssyncset.done $0x0  }
0x6f: {  	s28 =	sadd.s32 s2, s28;
	[sflag:s13] =	ssyncadd.s32 $0xFFFF8000  }
0x70: {  	[hbm4b:s28+s3] =	stream.linear.scatter [tilespmem:s12], [sflag:$0x3], $0x8000, $0x38;
	[tilespmem:$0x1D000] =	vst v63  }
0x71: {  	_ =	swait.ge [sflag:s17], $0x8000  }
0x72: {  	s28 =	sand.u32 $0x1FFFFC00, s26;
	[sflag:s17] =	ssyncset.done $0x0  }
.Ltmp7:
0x73: {  	s29 =	sadd.s32 s1, s28;
	[sflag:s17] =	ssyncadd.s32 $0xFFFF8000;
	(pc) =	sbr.rel @p0 .LBB2_5-.Ltmp7, $4  }
0x74: {  	[tilespmem:s14], [sflag:$0x2] =	stream.linear.gather [hbm4b:s29+s3], $0x8000, $0x38;
	[tilespmem:$0x1D000] =	vst v63  }
0x75: {  	_ =	swait.ge [sflag:s15], $0x8000  }
0x76: {  	s25 =	sadd.s32 $0x10000, s25;
	[sflag:s15] =	ssyncset.done $0x0  }
0x77: {  	s26 =	sadd.s32 $0x2000, s26;
	s28 =	sadd.s32 s2, s28;
	[sflag:s15] =	ssyncadd.s32 $0xFFFF8000  }
.LBB2_6:
0x78: {  	[hbm4b:s28+s3] =	stream.linear.scatter [tilespmem:s14], [sflag:$0x4], $0x8000, $0x38;
	[tilespmem:$0x1D000] =	vst v63  }
.LBB2_7:
0x79: {  	_ =	swait.ge [sflag:s16], $0x8000  }
0x7a: {  	[sflag:s16] =	ssyncset.done $0x0  }
0x7b: {  	[sflag:s16] =	ssyncadd.s32 $0xFFFF8000  }
0x7c: {  	_ =	swait.ge [sflag:s17], $0x8000  }
0x7d: {  	[sflag:s17] =	ssyncset.done $0x0  }
0x7e: {  	[sflag:s17] =	ssyncadd.s32 $0xFFFF8000  }
.LBB2_8:
0x7f: {  	s22 =	sand.u32 $0x20, s24  }
0x80: {  	s25 =	sshra.s32 s24, $0x5;
	p1 =	seq.s32 s22, $0x0  }
0x81: {  	s22 =	sshll.u32 @!p1 s25, $0xC;
	s26 =	sshll.u32 @!p1 s23, $0xA  }
0x82: {  	s22 =	sadd.s32 @!p1 s22, s26  }
0x83: {  	s22 =	sadd.s32 @!p1 $0x1FFFF000, s22  }
0x84: {  	s22 =	sand.u32 @!p1 $0x1FFFFC00, s22  }
0x85: {  	s28 =	simm.s32 @!p1 $0x0;
	s29 =	simm.s32 @!p1 $0x3000;
	s26 =	sadd.s32 @!p1 s1, s22  }
0x86: {  	[tilespmem:s29], [sflag:$0x1] =	stream.linear.gather @!p1 [hbm4b:s26+s28], $0x8000, $0x38;
	[tilespmem:$0x1D000] =	vst v63  }
0x87: {  	s26 =	simm.s32 @!p1 $0x1  }
0x88: {  	_ =	swait.ge @!p1 [sflag:s26], $0x8000  }
0x89: {  	[sflag:s26] =	ssyncset.done @!p1 $0x0  }
0x8a: {  	s22 =	sadd.s32 @!p1 s2, s22;
	[sflag:s26] =	ssyncadd.s32 @!p1 $0xFFFF8000  }
0x8b: {  	[hbm4b:s22+s28] =	stream.linear.scatter @!p1 [tilespmem:s29], [sflag:$0x3], $0x8000, $0x38;
	[tilespmem:$0x1D000] =	vst v63  }
0x8c: {  	s29 =	sand.u32 $0x10, s24  }
0x8d: {  	p0 =	seq.s32 s29, $0x0  }
0x8e: {  	s26 =	simm.s32 @!p1 $0x3;
	s22 =	sshll.u32 @!p0 s25, $0xF;
	s25 =	sshll.u32 @!p0 s23, $0xD  }
0x8f: {  	_ =	swait.ge @!p1 [sflag:s26], $0x8000;
	s22 =	sadd.s32 @!p0 s25, s22  }
0x90: {  	[sflag:s26] =	ssyncset.done @!p1 $0x0;
	s28 =	simm.s32 @!p0 $0x3000;
	s22 =	sshrl.u32 @!p0 s22, $0x3  }
0x91: {  	[sflag:s26] =	ssyncadd.s32 @!p1 $0xFFFF8000;
	s26 =	simm.s32 @!p0 $0x0;
	s25 =	sadd.s32 @!p0 s1, s22  }
0x92: {  	[tilespmem:s28], [sflag:$0x1] =	stream.linear.gather @!p0 [hbm4b:s25+s26], $0x4000, $0x38;
	[tilespmem:$0x1D000] =	vst v63  }
0x93: {  	s25 =	simm.s32 @!p0 $0x1  }
0x94: {  	_ =	swait.ge @!p0 [sflag:s25], $0x4000  }
0x95: {  	s30 =	sand.u32 $0x8, s24;
	[sflag:s25] =	ssyncset.done @!p0 $0x0  }
0x96: {  	p1 =	seq.s32 s30, $0x0;
	s22 =	sadd.s32 @!p0 s2, s22;
	[sflag:s25] =	ssyncadd.s32 @!p0 $0xFFFFC000  }
0x97: {  	[hbm4b:s22+s26] =	stream.linear.scatter @!p0 [tilespmem:s28], [sflag:$0x3], $0x4000, $0x38;
	[tilespmem:$0x1D000] =	vst v63  }
0x98: {  	s22 =	sshrl.u32 @!p1 s24, $0x3  }
0x99: {  	s22 =	sand.u32 @!p1 $0x7FFFE, s22  }
0x9a: {  	s25 =	simm.s32 @!p0 $0x3;
	s22 =	sadd.s32 @!p1 s23, s22  }
0x9b: {  	_ =	swait.ge @!p0 [sflag:s25], $0x4000;
	s22 =	sshll.u32 @!p1 s22, $0xA  }
0x9c: {  	s26 =	simm.s32 @!p1 $0x0;
	[sflag:s25] =	ssyncset.done @!p0 $0x0;
	s22 =	sand.u32 @!p1 $0x1FFFFC00, s22  }
0x9d: {  	s28 =	simm.s32 @!p1 $0x3000;
	[sflag:s25] =	ssyncadd.s32 @!p0 $0xFFFFC000;
	s25 =	sadd.s32 @!p1 s1, s22  }
0x9e: {  	[tilespmem:s28], [sflag:$0x1] =	stream.linear.gather @!p1 [hbm4b:s25+s26], $0x2000, $0x38;
	[tilespmem:$0x1D000] =	vst v63  }
0x9f: {  	s25 =	simm.s32 @!p1 $0x1  }
0xa0: {  	_ =	swait.ge @!p1 [sflag:s25], $0x2000  }
0xa1: {  	[sflag:s25] =	ssyncset.done @!p1 $0x0  }
0xa2: {  	s22 =	sadd.s32 @!p1 s2, s22;
	[sflag:s25] =	ssyncadd.s32 @!p1 $0xFFFFE000  }
0xa3: {  	[hbm4b:s22+s26] =	stream.linear.scatter @!p1 [tilespmem:s28], [sflag:$0x3], $0x2000, $0x38;
	[tilespmem:$0x1D000] =	vst v63  }
0xa4: {  	s22 =	sand.u32 $0x7, s24  }
0xa5: {  	p0 =	seq.s32 s22, $0x0  }
.Ltmp8:
0xa6: {  	_ = 	snop;
	(pc) =	sbr.rel @p0 .LBB2_30-.Ltmp8, $4  }
0xa7: {  	s25 =	simm.s32 @!p1 $0x3  }
0xa8: {  	_ =	swait.ge @!p1 [sflag:s25], $0x2000  }
0xa9: {  	s31 =	sshra.s32 s24, $0x3;
	[sflag:s25] =	ssyncset.done @!p1 $0x0  }
0xaa: {  	s23 =	sadd.s32 s23, s31;
	[sflag:s25] =	ssyncadd.s32 @!p1 $0xFFFFE000  }
0xab: {  	s24 =	sshll.u32 s23, $0xA  }
0xac: {  	p0 =	sne.s32 s22, $0x1;
	s24 =	sand.u32 $0x1FFFFC00, s24  }
.Ltmp9:
0xad: {  	s25 =	simm.s32 $0x0;
	s26 =	sadd.s32 s1, s24;
	(pc) =	sbr.rel @p0 .LBB2_12-.Ltmp9, $4  }
0xae: {  	[tilespmem:s18], [sflag:$0x1] =	stream.linear.gather [hbm4b:s26+s25], $0x2000, $0x38;
	[tilespmem:$0x1D000] =	vst v63  }
0xaf: {  	_ =	swait.ge [sflag:s13], $0x2000  }
0xb0: {  	[sflag:s13] =	ssyncset.done $0x0  }
0xb1: {  	[sflag:s13] =	ssyncadd.s32 $0xFFFFE000  }
0xb2: {  	s26 =	sand.u32 $0x70, s25;
	s28 =	sand.u32 $0x1C00, s25  }
0xb3: {  	s28 =	sor.u32 s26, s28  }
0xb4: {  	s26 =	sadd.s32 $0x10, s25;
	[tilespmem:s28+$0x1B080] =	vst v0  }
.LBB2_11:
0xb5: {  	p0 =	seq.s32 s26, $0x3F0  }
.Ltmp10:
0xb6: {  	_ = 	snop;
	(pc) =	sbr.rel @!p0 .LBB2_11-.Ltmp10, $4  }
0xb7: {  	s25 =	sadd.s32 $0x80, s25  }
0xb8: {  	s28 =	sand.u32 $0x70, s26;
	s29 =	sand.u32 $0x1C00, s25  }
0xb9: {  	s28 =	sor.u32 s28, s29  }
0xba: {  	s26 =	sadd.s32 $0x10, s26;
	[tilespmem:s28+$0x1B080] =	vst v0  }
.Ltmp11:
0xbb: {  	_ = 	snop;
	(pc) =	sbr.rel .LBB2_13-.Ltmp11, $1  }
0xbc: {  	_ =	sdelay $0x3  }
.LBB2_12:
0xbd: {  	p0 =	sgt.u32 s22, $0x2  }
.Ltmp12:
0xbe: {  	_ = 	snop;
	(pc) =	sbr.rel @p0 .LBB2_15-.Ltmp12, $1  }
0xbf: {  	_ =	sdelay $0x3  }
.LBB2_13:
0xc0: {  	s25 =	simm.s32 $0x0  }
0xc1: {  	s26 =	sand.u32 $0x70, s25;
	s28 =	sand.u32 $0x1C00, s25  }
0xc2: {  	s28 =	sor.u32 s26, s28  }
0xc3: {  	s26 =	simm.s32 $0x10;
	[tilespmem:s28+$0x1B100] =	vst v0  }
.LBB2_14:
0xc4: {  	p0 =	seq.s32 s26, $0x3F0  }
.Ltmp13:
0xc5: {  	_ = 	snop;
	(pc) =	sbr.rel @!p0 .LBB2_14-.Ltmp13, $4  }
0xc6: {  	s25 =	sadd.s32 $0x80, s25  }
0xc7: {  	s28 =	sand.u32 $0x70, s26;
	s29 =	sand.u32 $0x1C00, s25  }
0xc8: {  	s28 =	sor.u32 s28, s29  }
0xc9: {  	s26 =	sadd.s32 $0x10, s26;
	[tilespmem:s28+$0x1B100] =	vst v0  }
.LBB2_16:
0xca: {  	s25 =	simm.s32 $0x0  }
0xcb: {  	s26 =	sand.u32 $0x70, s25;
	s28 =	sand.u32 $0x1C00, s25  }
0xcc: {  	s28 =	sor.u32 s26, s28  }
0xcd: {  	s26 =	simm.s32 $0x10;
	[tilespmem:s28+$0x1B180] =	vst v0  }
.LBB2_17:
0xce: {  	p0 =	seq.s32 s26, $0x3F0  }
.Ltmp14:
0xcf: {  	_ = 	snop;
	(pc) =	sbr.rel @!p0 .LBB2_17-.Ltmp14, $4  }
0xd0: {  	s25 =	sadd.s32 $0x80, s25  }
0xd1: {  	s28 =	sand.u32 $0x70, s26;
	s29 =	sand.u32 $0x1C00, s25  }
0xd2: {  	s28 =	sor.u32 s28, s29  }
0xd3: {  	s26 =	sadd.s32 $0x10, s26;
	[tilespmem:s28+$0x1B180] =	vst v0  }
.LBB2_19:
0xd4: {  	s25 =	simm.s32 $0x0  }
0xd5: {  	s26 =	sand.u32 $0x70, s25;
	s28 =	sand.u32 $0x1C00, s25  }
0xd6: {  	s28 =	sor.u32 s26, s28  }
0xd7: {  	s26 =	simm.s32 $0x10;
	[tilespmem:s28+$0x1B200] =	vst v0  }
.LBB2_20:
0xd8: {  	p0 =	seq.s32 s26, $0x3F0  }
.Ltmp15:
0xd9: {  	_ = 	snop;
	(pc) =	sbr.rel @!p0 .LBB2_20-.Ltmp15, $4  }
0xda: {  	s25 =	sadd.s32 $0x80, s25  }
0xdb: {  	s28 =	sand.u32 $0x70, s26;
	s29 =	sand.u32 $0x1C00, s25  }
0xdc: {  	s28 =	sor.u32 s28, s29  }
0xdd: {  	s26 =	sadd.s32 $0x10, s26;
	[tilespmem:s28+$0x1B200] =	vst v0  }
.LBB2_23:
0xde: {  	s25 =	simm.s32 $0x0  }
0xdf: {  	s26 =	sand.u32 $0x70, s25;
	s28 =	sand.u32 $0x1C00, s25  }
0xe0: {  	s28 =	sor.u32 s26, s28  }
0xe1: {  	s26 =	simm.s32 $0x10;
	[tilespmem:s28+$0x1B280] =	vst v0  }
.LBB2_24:
0xe2: {  	p0 =	sne.s32 s26, $0x3F0  }
.Ltmp16:
0xe3: {  	_ = 	snop;
	(pc) =	sbr.rel @p0 .LBB2_24-.Ltmp16, $4  }
0xe4: {  	s25 =	sadd.s32 $0x80, s25  }
0xe5: {  	s28 =	sand.u32 $0x70, s26;
	s29 =	sand.u32 $0x1C00, s25  }
0xe6: {  	s28 =	sor.u32 s28, s29  }
0xe7: {  	s26 =	sadd.s32 $0x10, s26;
	[tilespmem:s28+$0x1B280] =	vst v0  }
.LBB2_25:
0xe8: {  	s25 =	simm.s32 $0x0  }
0xe9: {  	s26 =	sand.u32 $0x70, s25;
	s28 =	sand.u32 $0x1C00, s25  }
0xea: {  	s28 =	sor.u32 s26, s28  }
0xeb: {  	s26 =	simm.s32 $0x10;
	[tilespmem:s28+$0x1B300] =	vst v0  }
.LBB2_26:
0xec: {  	p0 =	sne.s32 s26, $0x3F0  }
.Ltmp17:
0xed: {  	_ = 	snop;
	(pc) =	sbr.rel @p0 .LBB2_26-.Ltmp17, $4  }
0xee: {  	s25 =	sadd.s32 $0x80, s25  }
0xef: {  	s28 =	sand.u32 $0x70, s26;
	s29 =	sand.u32 $0x1C00, s25  }
0xf0: {  	s28 =	sor.u32 s28, s29  }
0xf1: {  	s26 =	sadd.s32 $0x10, s26;
	[tilespmem:s28+$0x1B300] =	vst v0  }
.LBB2_27:
0xf2: {  	s25 =	simm.s32 $0x0  }
0xf3: {  	s28 =	sor.u32 s25, s25  }
0xf4: {  	s26 =	simm.s32 $0x10;
	s28 =	sor.u32 $0x380, s28  }
.LBB2_28:
0xf5: {  	p0 =	sne.s32 s26, $0x3F0  }
0xf6: {  	[tilespmem:s28+$0x1B000] =	vst v0;
	s25 =	sadd.s32 $0x80, s25;
	s28 =	smov.u32 s26;
	s26 =	sadd.s32 $0x10, s26  }
.Ltmp18:
0xf7: {  	(pc) =	sbr.rel @p0 .LBB2_28-.Ltmp18, $3  }
0xf8: {  	_ =	sdelay $0x1  }
0xf9: {  	s28 =	sor.u32 s25, s28  }
0xfa: {  	s28 =	sor.u32 $0x380, s28  }
0xfb: {  	[tilespmem:s28+$0x1B000] =	vst v0;
	s24 =	sadd.s32 s2, s24  }
0xfc: {  	[hbm4b:s24+s3] =	stream.linear.scatter [tilespmem:s18], [sflag:$0x3], $0x2000, $0x38;
	[tilespmem:$0x1D000] =	vst v63  }
0xfd: {  	_ =	swait.ge [sflag:s16], $0x2000  }
0xfe: {  	[sflag:s16] =	ssyncset.done $0x0  }
0xff: {  	[sflag:s16] =	ssyncadd.s32 $0xFFFFE000  }
.LBB2_30:
0x100: {  	p0 =	sne.s32 s22, $0x0;
	s22 =	simm.s32 $0x1  }
0x101: {  	s22 =	simm.s32 @!p0 $0x0  }
0x102: {  	s22 =	sadd.s32 s22, s23  }
0x103: {  	s21 =	ssub.s32 s21, s22  }
0x104: {  	s23 =	sshra.s32 s21, $0x2  }
0x105: {  	p0 =	slt.s32 s23, $0x1  }
.Ltmp19:
0x106: {  	_ = 	snop;
	(pc) =	sbr.rel @p0 .LBB2_35-.Ltmp19, $1  }
0x107: {  	_ =	sdelay $0x3  }
0x108: {  	s24 =	sshll.u32 s22, $0xD  }
0x109: {  	s25 =	sshrl.u32 s24, $0x3  }
0x10a: {  	p0 =	seq.s32 s23, $0x1;
	s25 =	sadd.s32 s2, s25  }
0x10b: {  	[hbm4b:s25+s3] =	stream.linear.scatter [tilespmem:s9], [sflag:$0x5], $0x8000, $0x38;
	[tilespmem:$0x1D000] =	vst v63  }
0x10c: {  	s25 =	sadd.s32 @!p0 $0x8000, s24  }
0x10d: {  	s26 =	simm.s32 @!p0 $0x0;
	p1 =	seq.s32 @!p0 s23, $0x2;
	s25 =	sshrl.u32 @!p0 s25, $0x3  }
0x10e: {  	s28 =	simm.s32 @!p0 $0x13000;
	p1 =	por p0, p1;
	s25 =	sadd.s32 @!p0 s2, s25  }
0x10f: {  	[hbm4b:s25+s26] =	stream.linear.scatter @!p0 [tilespmem:s28], [sflag:$0x5], $0x8000, $0x38;
	[tilespmem:$0x1D000] =	vst v63  }
0x110: {  	s25 =	sadd.s32 @!p1 $0x10000, s24  }
0x111: {  	p2 =	seq.s32 @!p1 s23, $0x3;
	s25 =	sshrl.u32 @!p1 s25, $0x3  }
0x112: {  	s26 =	simm.s32 @!p1 $0x0;
	s28 =	simm.s32 @!p1 $0x13000;
	s25 =	sadd.s32 @!p1 s2, s25  }
0x113: {  	[hbm4b:s25+s26] =	stream.linear.scatter @!p1 [tilespmem:s28], [sflag:$0x5], $0x8000, $0x38;
	[tilespmem:$0x1D000] =	vst v63  }
0x114: {  	p1 =	por p1, p2  }
0x115: {  	s25 =	sadd.s32 @!p1 $0x18000, s24  }
0x116: {  	s26 =	simm.s32 @!p1 $0x0;
	s25 =	sshrl.u32 @!p1 s25, $0x3  }
0x117: {  	s28 =	simm.s32 @!p1 $0x13000;
	p2 =	seq.s32 @!p1 s23, $0x4;
	s25 =	sadd.s32 @!p1 s2, s25  }
0x118: {  	[hbm4b:s25+s26] =	stream.linear.scatter @!p1 [tilespmem:s28], [sflag:$0x5], $0x8000, $0x38;
	[tilespmem:$0x1D000] =	vst v63  }
0x119: {  	p1 =	por p1, p2  }
.Ltmp20:
0x11a: {  	_ = 	snop;
	(pc) =	sbr.rel @p1 .LBB2_34-.Ltmp20, $1  }
0x11b: {  	_ =	sdelay $0x3  }
0x11c: {  	s26 =	sadd.s32 $0xFFFFFFFC, s23  }
0x11d: {  	p1 =	sne.s32 s26, $0x1  }
.Ltmp21:
0x11e: {  	s24 =	sadd.s32 $0x20000, s24;
	_ =	swait.ge [sflag:s11], $0x8000;
	(pc) =	sbr.rel @!p1 .LBB2_34-.Ltmp21, $4  }
0x11f: {  	s25 =	sshrl.u32 s24, $0x3;
	[sflag:s11] =	ssyncset.done $0x0  }
0x120: {  	[sflag:s11] =	ssyncadd.s32 $0xFFFF8000;
	s25 =	sadd.s32 s2, s25  }
0x121: {  	[hbm4b:s25+s3] =	stream.linear.scatter [tilespmem:s9], [sflag:$0x5], $0x8000, $0x38;
	[tilespmem:$0x1D000] =	vst v63  }
0x122: {  	s25 =	sadd.s32 $0xFFFFFFFF, s26  }
.LBB2_33:
0x123: {  	_ =	swait.ge [sflag:s11], $0x8000;
	p1 =	sne.s32 s25, $0x1  }
.Ltmp22:
0x124: {  	s24 =	sadd.s32 $0x8000, s24;
	(pc) =	sbr.rel @p1 .LBB2_33-.Ltmp22, $4  }
0x125: {  	s26 =	sshrl.u32 s24, $0x3  }
0x126: {  	s25 =	sadd.s32 $0xFFFFFFFF, s25;
	[sflag:s11] =	ssyncset.done $0x0  }
0x127: {  	s26 =	sadd.s32 s2, s26;
	[sflag:s11] =	ssyncadd.s32 $0xFFFF8000  }
0x128: {  	[hbm4b:s26+s3] =	stream.linear.scatter [tilespmem:s9], [sflag:$0x5], $0x8000, $0x38;
	[tilespmem:$0x1D000] =	vst v63  }
.Ltmp23:
0x129: {  	_ = 	snop;
	(pc) =	sbr.rel .LBB2_34-.Ltmp23, $1  }
0x12a: {  	_ =	sdelay $0x3  }
.LBB2_15:
0x12b: {  	p0 =	sne.s32 s22, $0x3  }
.Ltmp24:
0x12c: {  	_ = 	snop;
	(pc) =	sbr.rel @!p0 .LBB2_16-.Ltmp24, $1  }
0x12d: {  	_ =	sdelay $0x3  }
0x12e: {  	p0 =	sgt.u32 s22, $0x4  }
.Ltmp25:
0x12f: {  	_ = 	snop;
	(pc) =	sbr.rel @!p0 .LBB2_19-.Ltmp25, $1  }
0x130: {  	_ =	sdelay $0x3  }
0x131: {  	p0 =	seq.s32 s22, $0x7  }
.Ltmp26:
0x132: {  	_ = 	snop;
	(pc) =	sbr.rel @p0 .LBB2_27-.Ltmp26, $1  }
0x133: {  	_ =	sdelay $0x3  }
0x134: {  	p0 =	sne.s32 s22, $0x5  }
.Ltmp27:
0x135: {  	_ = 	snop;
	(pc) =	sbr.rel @!p0 .LBB2_23-.Ltmp27, $4  }
.Ltmp28:
0x136: {  	_ = 	snop;
	(pc) =	sbr.rel @p0 .LBB2_25-.Ltmp28, $4  }
0x137: {  	_ = 	snop  }
0x138: {  	_ = 	snop  }
0x139: {  	_ = 	snop  }
0x13a: {  	_ = 	snop  }
.LBB2_37:
0x13b: {  	_ =	sfence.sel $0x180000  }
0x13c: {  	[bflag:$0x0] =	sbarrier.arrive $0xFFFF  }
0x13d: {  	p0 =	sne.s32 s4, $0x0;
	_ =	strace $0x90000047  }
0x13e: {  	s0 =	sadd.s32 @!p0 $0x100000, s0;
	[bflag:$0x2] =	sbarrier.arrive $0xFFFF  }
0x13f: {  	[sflag:s0] =	ssyncadd.tile.s32 @!p0 $0x1;
	_ =	shalt  }
.Lfunc_end2:
_tile_overlayer_lowered:
.L_overlay_start_2:
0x140: {  	(tag) =	ssettag $0x2  }
0x141: {  	s0 =	rddreg [dreg:$0x0];
	s2 =	stileid.u32  }
0x142: {  	s1 =	rddreg [dreg:$0x1];
	p0 =	sne.s32 s2, $0x0  }
0x143: {  	s3 =	rddreg [dreg:$0x2];
	[bflag:$0x3] =	sbarrier.arrive $0xFFFF;
	s2 =	simm.s32 @!p0 $0x1C06  }
0x144: {  	[timem:s3], [sflag:s2] =	dma.local @!p0 [hbm:s0], s1  }
0x145: {  	s0 =	simm.s32 @!p0 $0x6  }
0x146: {  	_ =	swait.ge @!p0 [sflag:s0], s1  }
0x147: {  	s1 =	ssub.s32 @!p0 $0x0, s1;
	[sflag:s0] =	ssyncset.done @!p0 $0x0  }
0x148: {  	[sflag:s0] =	ssyncadd.s32 @!p0 s1  }
0x149: {  	[bflag:$0x3] =	sbarrier.arrive $0xFFFF  }
0x14a: {  	_ =	shalt  }

</sc_bundles>
